<compile_context>
chip_gen: v7x
topology: tpu7x:2x2x1
jax: 0.10.2.dev20260603
libtpu: 0.0.44.dev20260713+nightly
codegen_flags: <defaults>
</compile_context>

<pallas_src>
import functools
import math

import jax
import jax.numpy as jnp
from jax import lax
from jax.experimental import pallas as pl
from jax.experimental.pallas import tpu as pltpu
from jax.experimental.pallas import tpu_sc as plsc

N = 10000
E = 160000
MUL = 16
HID = 64
NR = MUL * MUL

NC = 2
NS = 16
NW = NC * NS

IB = 100
CH = 200
KPW = 25
EPW = KPW * CH
XR = 1280
XRPS = XR // NS


@functools.lru_cache(maxsize=1)
def _sc_kernels():
    mesh = plsc.VectorSubcoreMesh(core_axis_name="c", subcore_axis_name="s")

    @functools.partial(
        pl.kernel,
        mesh=mesh,
        out_type=jax.ShapeDtypeStruct((E, 128), jnp.float32),
        scratch_types=[
            pltpu.VMEM_SHARED((XR, 128), jnp.float32),
            pltpu.VMEM((2 * KPW, IB), jnp.int32),
            pltpu.VMEM((2, CH, 128), jnp.float32),
            pltpu.SemaphoreType.DMA,
            pltpu.SemaphoreType.DMA,
        ],
    )
    def sc_gather(x_hbm, src8_hbm, out_hbm, x_sh, idx8_v, chunk_v, gsem, osem):
        cid = lax.axis_index("c")
        sid = lax.axis_index("s")
        wid = sid * NC + cid
        pltpu.sync_copy(x_hbm.at[pl.ds(sid * XRPS, XRPS)],
                        x_sh.at[pl.ds(sid * XRPS, XRPS)])
        pltpu.sync_copy(src8_hbm.at[wid], idx8_v)
        plsc.subcore_barrier()

        def start(j, slot):
            pltpu.async_copy(x_sh.at[idx8_v.at[2 * j]],
                             chunk_v.at[slot].at[pl.ds(0, IB)], gsem)
            pltpu.async_copy(x_sh.at[idx8_v.at[2 * j + 1]],
                             chunk_v.at[slot].at[pl.ds(IB, IB)], gsem)

        def wait(j, slot):
            pltpu.make_async_copy(x_sh.at[idx8_v.at[2 * j]],
                                  chunk_v.at[slot].at[pl.ds(0, IB)], gsem).wait()
            pltpu.make_async_copy(x_sh.at[idx8_v.at[2 * j + 1]],
                                  chunk_v.at[slot].at[pl.ds(IB, IB)], gsem).wait()

        start(0, 0)

        def body(j, carry):
            slot = lax.rem(j, 2)
            wait(j, slot)

            @pl.when(j + 1 < KPW)
            def _():
                start(j + 1, 1 - slot)

            ob = pl.multiple_of(wid * EPW + j * CH, 8)
            pltpu.async_copy(chunk_v.at[slot], out_hbm.at[pl.ds(ob, CH)],
                             osem).wait()
            return carry

        lax.fori_loop(0, KPW, body, 0)

    @functools.partial(
        pl.kernel,
        mesh=mesh,
        out_type=jax.ShapeDtypeStruct((NC, XR, 128), jnp.float32),
        scratch_types=[
            pltpu.VMEM_SHARED((XR, 128), jnp.float32),
            pltpu.VMEM((2 * KPW, IB), jnp.int32),
            pltpu.VMEM((2, CH, 128), jnp.float32),
            pltpu.SemaphoreType.DMA,
        ],
    )
    def sc_scatter(msg_hbm, dst8_hbm, zero_hbm, out_hbm,
                   acc_sh, idx8_v, mbuf_v, msem):
        cid = lax.axis_index("c")
        sid = lax.axis_index("s")
        wid = sid * NC + cid
        pltpu.sync_copy(dst8_hbm.at[wid], idx8_v)
        pltpu.sync_copy(zero_hbm.at[pl.ds(sid * XRPS, XRPS)],
                        acc_sh.at[pl.ds(sid * XRPS, XRPS)])
        plsc.subcore_barrier()

        def start(j, slot):
            mb = pl.multiple_of(wid * EPW + j * CH, 8)
            pltpu.async_copy(msg_hbm.at[pl.ds(mb, CH)], mbuf_v.at[slot], msem)

        def wait(j, slot):
            mb = pl.multiple_of(wid * EPW + j * CH, 8)
            pltpu.make_async_copy(msg_hbm.at[pl.ds(mb, CH)],
                                  mbuf_v.at[slot], msem).wait()

        start(0, 0)

        def body(j, carry):
            slot = lax.rem(j, 2)
            wait(j, slot)

            @pl.when(j + 1 < KPW)
            def _():
                start(j + 1, 1 - slot)

            pltpu.sync_copy(mbuf_v.at[slot].at[pl.ds(0, IB)],
                            acc_sh.at[idx8_v.at[2 * j]], add=True)
            pltpu.sync_copy(mbuf_v.at[slot].at[pl.ds(IB, IB)],
                            acc_sh.at[idx8_v.at[2 * j + 1]], add=True)
            return carry

        lax.fori_loop(0, KPW, body, 0)
        plsc.subcore_barrier()
        pltpu.sync_copy(acc_sh.at[pl.ds(sid * XRPS, XRPS)],
                        out_hbm.at[cid, pl.ds(sid * XRPS, XRPS)])

    return sc_gather, sc_scatter


TE = 4000
GRID = E // TE


def _tc_body(d_ref, f_ref, sg_ref, dg_ref, w1_ref, b1_ref, w2_ref, b2_ref,
             tt_ref, s_ref, t8_ref, o_ref):
    lanegrp = lax.broadcasted_iota(jnp.int32, (TE, 128), 1) >> 4
    fmask = jnp.where(lanegrp == sg_ref[...], f_ref[...], 0.0)
    h = jnp.maximum(d_ref[...] * w1_ref[...] + b1_ref[...], 0.0)
    r = jnp.dot(h, w2_ref[...], preferred_element_type=jnp.float32) + b2_ref[...]
    ft = jnp.dot(fmask, tt_ref[...], preferred_element_type=jnp.float32)
    msg = jnp.dot(r * ft, s_ref[...], preferred_element_type=jnp.float32)
    mp = jnp.dot(msg, t8_ref[...], preferred_element_type=jnp.float32)
    o_ref[...] = jnp.where(lanegrp == dg_ref[...], mp, 0.0)


def _tc_messages(d2, f128, sg2, dg2, w1, b1v, w2c, b2c, tt, s, t8):
    return pl.pallas_call(
        _tc_body,
        grid=(GRID,),
        in_specs=[
            pl.BlockSpec((TE, 1), lambda i: (i, 0)),
            pl.BlockSpec((TE, 128), lambda i: (i, 0)),
            pl.BlockSpec((TE, 1), lambda i: (i, 0)),
            pl.BlockSpec((TE, 1), lambda i: (i, 0)),
            pl.BlockSpec((1, HID), lambda i: (0, 0)),
            pl.BlockSpec((1, HID), lambda i: (0, 0)),
            pl.BlockSpec((HID, NR), lambda i: (0, 0)),
            pl.BlockSpec((1, NR), lambda i: (0, 0)),
            pl.BlockSpec((128, NR), lambda i: (0, 0)),
            pl.BlockSpec((NR, MUL), lambda i: (0, 0)),
            pl.BlockSpec((MUL, 128), lambda i: (0, 0)),
        ],
        out_specs=pl.BlockSpec((TE, 128), lambda i: (i, 0)),
        out_shape=jax.ShapeDtypeStruct((E, 128), jnp.float32),
    )(d2, f128, sg2, dg2, w1, b1v, w2c, b2c, tt, s, t8)


def kernel(x, edge_index, abs_distances, rel_vec, W1, b1, W2, b2):
    src = edge_index[0]
    dst = edge_index[1]

    src8 = (src >> 3).reshape(NW, 2 * KPW, IB)
    dst8 = (dst >> 3).reshape(NW, 2 * KPW, IB)
    sg2 = (src & 7).reshape(E, 1)
    dg2 = (dst & 7).reshape(E, 1)

    x2d = jnp.pad(x.reshape(N // 8, 128), ((0, XR - N // 8), (0, 0)))

    c = (math.sqrt(4.0 * math.pi) / math.sqrt(MUL)) * (1.0 / (2.0 * math.sqrt(math.pi)))
    w2c = W2 * c
    b2c = (b2 * c).reshape(1, NR)
    w1 = W1.reshape(1, HID)
    b1v = b1.reshape(1, HID)
    eye = jnp.eye(MUL, dtype=jnp.float32)
    tt = jnp.tile(jnp.tile(eye, (1, MUL)), (8, 1))
    s = jnp.repeat(eye, MUL, axis=0)
    t8 = jnp.tile(eye, (1, 8))

    sc_gather, sc_scatter = _sc_kernels()
    f128 = sc_gather(x2d, src8)
    msgp = _tc_messages(abs_distances.reshape(E, 1), f128, sg2, dg2,
                        w1, b1v, w2c, b2c, tt, s, t8)
    zero = jnp.zeros((XR, 128), dtype=jnp.float32)
    parts = sc_scatter(msgp, dst8, zero)
    acc = (parts[0] + parts[1]).reshape(XR * 8, MUL)
    return acc[:N]

# --- scband reference (transcript-rebuilt; emitter-appended) ---
"""Pipeline reference for scband-tensor-passing-homogenous-78700980732442 (READ-ONLY COPY).

The authoritative reference and input builder live on the scoring server;
editing this copy changes nothing except your own understanding.
"""

import jax, jax.numpy as jnp
import numpy as np
import math

N = 10000
E = 160000
MUL = 16  # Rs_in = Rs_out = [(16, 0)] -> scalar (l=0) representations only
HID = 64
N_RADIAL = MUL * MUL  # mul_out * mul_in * (2*min(0,0)+1) = 256


def setup_inputs(seed: int = 0) -> dict:
    key = jax.random.key(seed)
    ks = jax.random.split(key, 8)
    x = jax.random.normal(ks[0], (N, MUL), dtype=jnp.float32)
    edge_index = jax.random.randint(ks[1], (2, E), 0, N, dtype=jnp.int32)
    abs_distances = jax.random.uniform(ks[2], (E,), dtype=jnp.float32)
    rel_vec = jax.random.normal(ks[3], (E, 3), dtype=jnp.float32)
    # learned radial model parameters: MLP 1 -> 64 -> 256
    W1 = jax.random.normal(ks[4], (1, HID), dtype=jnp.float32) * 0.5
    b1 = jnp.zeros((HID,), dtype=jnp.float32)
    W2 = jax.random.normal(ks[5], (HID, N_RADIAL), dtype=jnp.float32) * (1.0 / math.sqrt(HID))
    b2 = jnp.zeros((N_RADIAL,), dtype=jnp.float32)
    return {"x": x, "edge_index": edge_index, "abs_distances": abs_distances,
            "rel_vec": rel_vec, "W1": W1, "b1": b1, "W2": W2, "b2": b2}


def reference(x, edge_index, abs_distances, rel_vec, W1, b1, W2, b2):
    # TensorPassingHomogenous with representations [[(16,0)],[(16,0)]] -> single TensorPassingLayer.
    # For pure l=0 reps: max_l = 0, spherical_harmonics_xyz([0], rel_vec) = constant Y_00 = 1/(2*sqrt(pi)),
    # the (0,0,0) coupling coefficient is 1, and norm_coef = sqrt(4*pi)*sqrt(2*0+1)/sqrt(mul_in*(2*0+1)).
    E_ = edge_index.shape[1]
    src = edge_index[0]  # j (message source in PyG propagate)
    dst = edge_index[1]  # i (aggregation target)
    # radial model: R(d) per edge, shape [E, mul_out*mul_in]
    d = abs_distances[:, None]
    h = jax.nn.relu(d @ W1 + b1)
    R = h @ W2 + b2  # [E, 256]
    # real spherical harmonic Y_0 (constant; rel_vec enters only via Y_{l>0}, absent here)
    Y0 = 1.0 / (2.0 * math.sqrt(math.pi)) + 0.0 * jnp.sum(rel_vec) * 0.0
    norm = math.sqrt(4.0 * math.pi) / math.sqrt(MUL * 1.0)
    # gather source features (memory-bound gather)
    F = x[src]  # [E, 16]
    # tensor message kernel specialized to l_out = l_in = 0:
    # msg[e, u_out] = norm * Y0 * sum_{u_in} R[e, u_out*mul_in + u_in] * F[e, u_in]
    Rm = R.reshape(E_, MUL, MUL)
    msg = norm * Y0 * jnp.einsum('eoi,ei->eo', Rm, F)
    # PyG aggregate (default add) to destination nodes, then update = Identity gate
    out = jnp.zeros((x.shape[0], MUL), dtype=x.dtype).at[dst].add(msg)
    return out

if __name__ == "__main__":
    import jax
    _d = setup_inputs()
    print(jax.jit(kernel)(*tuple(_d.values())))

</pallas_src>

<mosaic_0001>
#map = affine_map<(d0, d1) -> (0, 0)>
#map1 = affine_map<(d0, d1) -> (0, 0, 0)>
module attributes {stable_mosaic.version = 14 : i64} {
  func.func @sc_gather(%arg0: i32, %arg1: i32, %arg2: memref<1280x128xf32, #tpu.memory_space<hbm>>, %arg3: memref<32x50x100xi32, #tpu.memory_space<hbm>>, %arg4: memref<160000x128xf32, #tpu.memory_space<hbm>>, %arg5: memref<1280x128xf32, #tpu.memory_space<vmem_shared>>, %arg6: memref<50x100xi32, #tpu.memory_space<vmem>>, %arg7: memref<2x200x128xf32, #tpu.memory_space<vmem>>, %arg8: memref<!tpu.dma_semaphore, #tpu.memory_space<semaphore_mem>>, %arg9: memref<!tpu.dma_semaphore, #tpu.memory_space<semaphore_mem>>) attributes {dimension_semantics = [#tpu.dimension_semantics<core_parallel>, #tpu.dimension_semantics<subcore_parallel>], iteration_bounds = array<i64: 2, 16>, scalar_prefetch = 0 : i64, scratch_operands = 5 : i64, tpu.core_type = #tpu.core_type<sc_vector_subcore>, window_params = [{transform_indices = #map}, {transform_indices = #map1}, {transform_indices = #map}]} {
    %mul3A = arith.constant 2 : i32
    %mul3A_0 = arith.muli %arg1, %mul3A : i32
    %add3A = arith.addi %mul3A_0, %arg0 : i32
    %mul3A_1 = arith.constant 80 : i32
    %mul3A_2 = arith.muli %arg1, %mul3A_1 : i32
    %mul3A_3 = arith.constant 80 : i32
    %mul3A_4 = arith.muli %arg1, %mul3A_3 : i32
    "tpu.region"() ({
      %run_scoped3A = tpu.sem_alloc : memref<!tpu.dma_semaphore, #tpu.memory_space<semaphore_mem>>
      %dma_start3A_39 = arith.constant 0 : i32
      %dma_start3A_40 = tpu.memref_slice %arg5[%mul3A_4, %dma_start3A_39] : memref<1280x128xf32, #tpu.memory_space<vmem_shared>> -> memref<80x128xf32, #tpu.memory_space<vmem_shared>>
      %dma_start3A_41 = arith.constant 0 : i32
      %dma_start3A_42 = tpu.memref_slice %arg2[%mul3A_2, %dma_start3A_41] : memref<1280x128xf32, #tpu.memory_space<hbm>> -> memref<80x128xf32, #tpu.memory_space<hbm>>
      tpu.enqueue_dma source(%dma_start3A_42 : memref<80x128xf32, #tpu.memory_space<hbm>>) target(%dma_start3A_40 : memref<80x128xf32, #tpu.memory_space<vmem_shared>>) target_semaphore(%run_scoped3A : memref<!tpu.dma_semaphore, #tpu.memory_space<semaphore_mem>>)
      %dma_wait3A = arith.constant 0 : i32
      %dma_wait3A_43 = tpu.memref_slice %arg5[%mul3A_4, %dma_wait3A] : memref<1280x128xf32, #tpu.memory_space<vmem_shared>> -> memref<80x128xf32, #tpu.memory_space<vmem_shared>>
      %dma_wait3A_44 = arith.constant 0 : i32
      %dma_wait3A_45 = tpu.memref_slice %arg2[%mul3A_2, %dma_wait3A_44] : memref<1280x128xf32, #tpu.memory_space<hbm>> -> memref<80x128xf32, #tpu.memory_space<hbm>>
      tpu.wait_dma2 semaphore(%run_scoped3A : memref<!tpu.dma_semaphore, #tpu.memory_space<semaphore_mem>>) src(%dma_wait3A_45 : memref<80x128xf32, #tpu.memory_space<hbm>>) dst(%dma_wait3A_43 : memref<80x128xf32, #tpu.memory_space<vmem_shared>>)
      tpu.yield
    }) : () -> ()
    "tpu.region"() ({
      %run_scoped3A = tpu.sem_alloc : memref<!tpu.dma_semaphore, #tpu.memory_space<semaphore_mem>>
      %dma_start3A_39 = arith.constant 0 : i32
      %dma_start3A_40 = arith.constant 0 : i32
      %dma_start3A_41 = tpu.memref_slice %arg3[%add3A, %dma_start3A_39, %dma_start3A_40] : memref<32x50x100xi32, #tpu.memory_space<hbm>> -> memref<1x50x100xi32, #tpu.memory_space<hbm>>
      %dma_start3A_42 = tpu.memref_squeeze %dma_start3A_41 : memref<1x50x100xi32, #tpu.memory_space<hbm>> -> memref<50x100xi32, #tpu.memory_space<hbm>>
      %dma_start3A_43 = arith.constant 0 : i32
      %dma_start3A_44 = arith.constant 0 : i32
      %dma_start3A_45 = tpu.memref_slice %arg3[%add3A, %dma_start3A_43, %dma_start3A_44] : memref<32x50x100xi32, #tpu.memory_space<hbm>> -> memref<1x50x100xi32, #tpu.memory_space<hbm>>
      %dma_start3A_46 = tpu.memref_squeeze %dma_start3A_45 : memref<1x50x100xi32, #tpu.memory_space<hbm>> -> memref<50x100xi32, #tpu.memory_space<hbm>>
      tpu.enqueue_dma source(%dma_start3A_46 : memref<50x100xi32, #tpu.memory_space<hbm>>) target(%arg6 : memref<50x100xi32, #tpu.memory_space<vmem>>) target_semaphore(%run_scoped3A : memref<!tpu.dma_semaphore, #tpu.memory_space<semaphore_mem>>)
      %dma_wait3A = arith.constant 0 : i32
      %dma_wait3A_47 = arith.constant 0 : i32
      %dma_wait3A_48 = tpu.memref_slice %arg3[%add3A, %dma_wait3A, %dma_wait3A_47] : memref<32x50x100xi32, #tpu.memory_space<hbm>> -> memref<1x50x100xi32, #tpu.memory_space<hbm>>
      %dma_wait3A_49 = tpu.memref_squeeze %dma_wait3A_48 : memref<1x50x100xi32, #tpu.memory_space<hbm>> -> memref<50x100xi32, #tpu.memory_space<hbm>>
      %dma_wait3A_50 = arith.constant 0 : i32
      %dma_wait3A_51 = arith.constant 0 : i32
      %dma_wait3A_52 = tpu.memref_slice %arg3[%add3A, %dma_wait3A_50, %dma_wait3A_51] : memref<32x50x100xi32, #tpu.memory_space<hbm>> -> memref<1x50x100xi32, #tpu.memory_space<hbm>>
      %dma_wait3A_53 = tpu.memref_squeeze %dma_wait3A_52 : memref<1x50x100xi32, #tpu.memory_space<hbm>> -> memref<50x100xi32, #tpu.memory_space<hbm>>
      tpu.wait_dma2 semaphore(%run_scoped3A : memref<!tpu.dma_semaphore, #tpu.memory_space<semaphore_mem>>) src(%dma_wait3A_53 : memref<50x100xi32, #tpu.memory_space<hbm>>) dst(%arg6 : memref<50x100xi32, #tpu.memory_space<vmem>>)
      tpu.yield
    }) : () -> ()
    %barrier3A = arith.constant 0 : index
    tpu.barrier barrier_id(%barrier3A)
    %dma_start3A = arith.constant 0 : i32
    %dma_start3A_5 = arith.constant 0 : i32
    %dma_start3A_6 = arith.constant 0 : i32
    %dma_start3A_7 = arith.constant 0 : i32
    %dma_start3A_8 = tpu.memref_slice %arg7[%dma_start3A_5, %dma_start3A_6, %dma_start3A_7] : memref<2x200x128xf32, #tpu.memory_space<vmem>> -> memref<1x200x128xf32, #tpu.memory_space<vmem>>
    %dma_start3A_9 = tpu.memref_squeeze %dma_start3A_8 : memref<1x200x128xf32, #tpu.memory_space<vmem>> -> memref<200x128xf32, #tpu.memory_space<vmem>>
    %dma_start3A_10 = arith.constant 0 : i32
    %dma_start3A_11 = arith.constant 0 : i32
    %dma_start3A_12 = tpu.memref_slice %dma_start3A_9[%dma_start3A_10, %dma_start3A_11] : memref<200x128xf32, #tpu.memory_space<vmem>> -> memref<100x128xf32, #tpu.memory_space<vmem>>
    %dma_start3A_13 = arith.constant 0 : i32
    %dma_start3A_14 = tpu.memref_slice %arg6[%dma_start3A, %dma_start3A_13] : memref<50x100xi32, #tpu.memory_space<vmem>> -> memref<1x100xi32, #tpu.memory_space<vmem>>
    %dma_start3A_15 = tpu.memref_squeeze %dma_start3A_14 : memref<1x100xi32, #tpu.memory_space<vmem>> -> memref<100xi32, #tpu.memory_space<vmem>>
    %dma_start3A_16 = arith.constant 0 : i32
    %dma_start3A_17 = arith.constant 0 : i32
    %dma_start3A_18 = tpu.memref_slice %arg5[%dma_start3A_16, %dma_start3A_17] : memref<1280x128xf32, #tpu.memory_space<vmem_shared>> -> memref<1280x128xf32, #tpu.memory_space<vmem_shared>>
    tpu.enqueue_indirect_dma source(%dma_start3A_18 : memref<1280x128xf32, #tpu.memory_space<vmem_shared>>) target(%dma_start3A_12 : memref<100x128xf32, #tpu.memory_space<vmem>>) offsets(%dma_start3A_15 : memref<100xi32, #tpu.memory_space<vmem>>) semaphore(%arg8 : memref<!tpu.dma_semaphore, #tpu.memory_space<semaphore_mem>>)
    %dma_start3A_19 = arith.constant 1 : i32
    %dma_start3A_20 = arith.constant 0 : i32
    %dma_start3A_21 = arith.constant 0 : i32
    %dma_start3A_22 = arith.constant 0 : i32
    %dma_start3A_23 = tpu.memref_slice %arg7[%dma_start3A_20, %dma_start3A_21, %dma_start3A_22] : memref<2x200x128xf32, #tpu.memory_space<vmem>> -> memref<1x200x128xf32, #tpu.memory_space<vmem>>
    %dma_start3A_24 = tpu.memref_squeeze %dma_start3A_23 : memref<1x200x128xf32, #tpu.memory_space<vmem>> -> memref<200x128xf32, #tpu.memory_space<vmem>>
    %dma_start3A_25 = arith.constant 100 : i32
    %dma_start3A_26 = arith.constant 0 : i32
    %dma_start3A_27 = tpu.memref_slice %dma_start3A_24[%dma_start3A_25, %dma_start3A_26] : memref<200x128xf32, #tpu.memory_space<vmem>> -> memref<100x128xf32, #tpu.memory_space<vmem>>
    %dma_start3A_28 = arith.constant 0 : i32
    %dma_start3A_29 = tpu.memref_slice %arg6[%dma_start3A_19, %dma_start3A_28] : memref<50x100xi32, #tpu.memory_space<vmem>> -> memref<1x100xi32, #tpu.memory_space<vmem>>
    %dma_start3A_30 = tpu.memref_squeeze %dma_start3A_29 : memref<1x100xi32, #tpu.memory_space<vmem>> -> memref<100xi32, #tpu.memory_space<vmem>>
    %dma_start3A_31 = arith.constant 0 : i32
    %dma_start3A_32 = arith.constant 0 : i32
    %dma_start3A_33 = tpu.memref_slice %arg5[%dma_start3A_31, %dma_start3A_32] : memref<1280x128xf32, #tpu.memory_space<vmem_shared>> -> memref<1280x128xf32, #tpu.memory_space<vmem_shared>>
    tpu.enqueue_indirect_dma source(%dma_start3A_33 : memref<1280x128xf32, #tpu.memory_space<vmem_shared>>) target(%dma_start3A_27 : memref<100x128xf32, #tpu.memory_space<vmem>>) offsets(%dma_start3A_30 : memref<100xi32, #tpu.memory_space<vmem>>) semaphore(%arg8 : memref<!tpu.dma_semaphore, #tpu.memory_space<semaphore_mem>>)
    %scan3A = arith.constant 0 : i32
    %scan3A_34 = arith.constant 0 : i32
    %scan3A_35 = arith.constant 25 : i32
    %scan3A_36 = arith.addi %scan3A_34, %scan3A_35 : i32
    %scan3A_37 = arith.constant 1 : i32
    scf.for %scan3A_39 = %scan3A_34 to %scan3A_36 step %scan3A_37  : i32 {
      %rem3A = arith.constant 2 : i32
      %rem3A_40 = arith.remsi %scan3A_39, %rem3A : i32
      %mul3A_41 = arith.constant 2 : i32
      %mul3A_42 = arith.muli %mul3A_41, %scan3A_39 : i32
      %dma_wait3A = arith.constant 0 : i32
      %dma_wait3A_43 = arith.constant 0 : i32
      %dma_wait3A_44 = tpu.memref_slice %arg7[%rem3A_40, %dma_wait3A, %dma_wait3A_43] : memref<2x200x128xf32, #tpu.memory_space<vmem>> -> memref<1x200x128xf32, #tpu.memory_space<vmem>>
      %dma_wait3A_45 = tpu.memref_squeeze %dma_wait3A_44 : memref<1x200x128xf32, #tpu.memory_space<vmem>> -> memref<200x128xf32, #tpu.memory_space<vmem>>
      %dma_wait3A_46 = arith.constant 0 : i32
      %dma_wait3A_47 = arith.constant 0 : i32
      %dma_wait3A_48 = tpu.memref_slice %dma_wait3A_45[%dma_wait3A_46, %dma_wait3A_47] : memref<200x128xf32, #tpu.memory_space<vmem>> -> memref<100x128xf32, #tpu.memory_space<vmem>>
      %dma_wait3A_49 = arith.constant 0 : i32
      %dma_wait3A_50 = tpu.memref_slice %arg6[%mul3A_42, %dma_wait3A_49] : memref<50x100xi32, #tpu.memory_space<vmem>> -> memref<1x100xi32, #tpu.memory_space<vmem>>
      %dma_wait3A_51 = tpu.memref_squeeze %dma_wait3A_50 : memref<1x100xi32, #tpu.memory_space<vmem>> -> memref<100xi32, #tpu.memory_space<vmem>>
      %dma_wait3A_52 = arith.constant 0 : i32
      %dma_wait3A_53 = arith.constant 0 : i32
      %dma_wait3A_54 = tpu.memref_slice %arg5[%dma_wait3A_52, %dma_wait3A_53] : memref<1280x128xf32, #tpu.memory_space<vmem_shared>> -> memref<1280x128xf32, #tpu.memory_space<vmem_shared>>
      tpu.wait_indirect_dma semaphore(%arg8 : memref<!tpu.dma_semaphore, #tpu.memory_space<semaphore_mem>>) src(%dma_wait3A_54 : memref<1280x128xf32, #tpu.memory_space<vmem_shared>>) dst(%dma_wait3A_48 : memref<100x128xf32, #tpu.memory_space<vmem>>)
      %mul3A_55 = arith.constant 2 : i32
      %mul3A_56 = arith.muli %mul3A_55, %scan3A_39 : i32
      %add3A_57 = arith.constant 1 : i32
      %add3A_58 = arith.addi %mul3A_56, %add3A_57 : i32
      %dma_wait3A_59 = arith.constant 0 : i32
      %dma_wait3A_60 = arith.constant 0 : i32
      %dma_wait3A_61 = tpu.memref_slice %arg7[%rem3A_40, %dma_wait3A_59, %dma_wait3A_60] : memref<2x200x128xf32, #tpu.memory_space<vmem>> -> memref<1x200x128xf32, #tpu.memory_space<vmem>>
      %dma_wait3A_62 = tpu.memref_squeeze %dma_wait3A_61 : memref<1x200x128xf32, #tpu.memory_space<vmem>> -> memref<200x128xf32, #tpu.memory_space<vmem>>
      %dma_wait3A_63 = arith.constant 100 : i32
      %dma_wait3A_64 = arith.constant 0 : i32
      %dma_wait3A_65 = tpu.memref_slice %dma_wait3A_62[%dma_wait3A_63, %dma_wait3A_64] : memref<200x128xf32, #tpu.memory_space<vmem>> -> memref<100x128xf32, #tpu.memory_space<vmem>>
      %dma_wait3A_66 = arith.constant 0 : i32
      %dma_wait3A_67 = tpu.memref_slice %arg6[%add3A_58, %dma_wait3A_66] : memref<50x100xi32, #tpu.memory_space<vmem>> -> memref<1x100xi32, #tpu.memory_space<vmem>>
      %dma_wait3A_68 = tpu.memref_squeeze %dma_wait3A_67 : memref<1x100xi32, #tpu.memory_space<vmem>> -> memref<100xi32, #tpu.memory_space<vmem>>
      %dma_wait3A_69 = arith.constant 0 : i32
      %dma_wait3A_70 = arith.constant 0 : i32
      %dma_wait3A_71 = tpu.memref_slice %arg5[%dma_wait3A_69, %dma_wait3A_70] : memref<1280x128xf32, #tpu.memory_space<vmem_shared>> -> memref<1280x128xf32, #tpu.memory_space<vmem_shared>>
      tpu.wait_indirect_dma semaphore(%arg8 : memref<!tpu.dma_semaphore, #tpu.memory_space<semaphore_mem>>) src(%dma_wait3A_71 : memref<1280x128xf32, #tpu.memory_space<vmem_shared>>) dst(%dma_wait3A_65 : memref<100x128xf32, #tpu.memory_space<vmem>>)
      %add3A_72 = arith.constant 1 : i32
      %add3A_73 = arith.addi %scan3A_39, %add3A_72 : i32
      %lt3A = arith.constant 25 : i32
      %lt3A_74 = arith.cmpi slt, %add3A_73, %lt3A : i32
      %convert_element_type3A = arith.extui %lt3A_74 : i1 to i32
      %cond3A = arith.constant 0 : i32
      %cond3A_75 = arith.cmpi ne, %convert_element_type3A, %cond3A : i32
      scf.if %cond3A_75 {
        %add3A_105 = arith.constant 1 : i32
        %add3A_106 = arith.addi %scan3A_39, %add3A_105 : i32
        %sub3A = arith.constant 1 : i32
        %sub3A_107 = arith.subi %sub3A, %rem3A_40 : i32
        %mul3A_108 = arith.constant 2 : i32
        %mul3A_109 = arith.muli %mul3A_108, %add3A_106 : i32
        %dma_start3A_110 = arith.constant 0 : i32
        %dma_start3A_111 = arith.constant 0 : i32
        %dma_start3A_112 = tpu.memref_slice %arg7[%sub3A_107, %dma_start3A_110, %dma_start3A_111] : memref<2x200x128xf32, #tpu.memory_space<vmem>> -> memref<1x200x128xf32, #tpu.memory_space<vmem>>
        %dma_start3A_113 = tpu.memref_squeeze %dma_start3A_112 : memref<1x200x128xf32, #tpu.memory_space<vmem>> -> memref<200x128xf32, #tpu.memory_space<vmem>>
        %dma_start3A_114 = arith.constant 0 : i32
        %dma_start3A_115 = arith.constant 0 : i32
        %dma_start3A_116 = tpu.memref_slice %dma_start3A_113[%dma_start3A_114, %dma_start3A_115] : memref<200x128xf32, #tpu.memory_space<vmem>> -> memref<100x128xf32, #tpu.memory_space<vmem>>
        %dma_start3A_117 = arith.constant 0 : i32
        %dma_start3A_118 = tpu.memref_slice %arg6[%mul3A_109, %dma_start3A_117] : memref<50x100xi32, #tpu.memory_space<vmem>> -> memref<1x100xi32, #tpu.memory_space<vmem>>
        %dma_start3A_119 = tpu.memref_squeeze %dma_start3A_118 : memref<1x100xi32, #tpu.memory_space<vmem>> -> memref<100xi32, #tpu.memory_space<vmem>>
        %dma_start3A_120 = arith.constant 0 : i32
        %dma_start3A_121 = arith.constant 0 : i32
        %dma_start3A_122 = tpu.memref_slice %arg5[%dma_start3A_120, %dma_start3A_121] : memref<1280x128xf32, #tpu.memory_space<vmem_shared>> -> memref<1280x128xf32, #tpu.memory_space<vmem_shared>>
        tpu.enqueue_indirect_dma source(%dma_start3A_122 : memref<1280x128xf32, #tpu.memory_space<vmem_shared>>) target(%dma_start3A_116 : memref<100x128xf32, #tpu.memory_space<vmem>>) offsets(%dma_start3A_119 : memref<100xi32, #tpu.memory_space<vmem>>) semaphore(%arg8 : memref<!tpu.dma_semaphore, #tpu.memory_space<semaphore_mem>>)
        %mul3A_123 = arith.constant 2 : i32
        %mul3A_124 = arith.muli %mul3A_123, %add3A_106 : i32
        %add3A_125 = arith.constant 1 : i32
        %add3A_126 = arith.addi %mul3A_124, %add3A_125 : i32
        %dma_start3A_127 = arith.constant 0 : i32
        %dma_start3A_128 = arith.constant 0 : i32
        %dma_start3A_129 = tpu.memref_slice %arg7[%sub3A_107, %dma_start3A_127, %dma_start3A_128] : memref<2x200x128xf32, #tpu.memory_space<vmem>> -> memref<1x200x128xf32, #tpu.memory_space<vmem>>
        %dma_start3A_130 = tpu.memref_squeeze %dma_start3A_129 : memref<1x200x128xf32, #tpu.memory_space<vmem>> -> memref<200x128xf32, #tpu.memory_space<vmem>>
        %dma_start3A_131 = arith.constant 100 : i32
        %dma_start3A_132 = arith.constant 0 : i32
        %dma_start3A_133 = tpu.memref_slice %dma_start3A_130[%dma_start3A_131, %dma_start3A_132] : memref<200x128xf32, #tpu.memory_space<vmem>> -> memref<100x128xf32, #tpu.memory_space<vmem>>
        %dma_start3A_134 = arith.constant 0 : i32
        %dma_start3A_135 = tpu.memref_slice %arg6[%add3A_126, %dma_start3A_134] : memref<50x100xi32, #tpu.memory_space<vmem>> -> memref<1x100xi32, #tpu.memory_space<vmem>>
        %dma_start3A_136 = tpu.memref_squeeze %dma_start3A_135 : memref<1x100xi32, #tpu.memory_space<vmem>> -> memref<100xi32, #tpu.memory_space<vmem>>
        %dma_start3A_137 = arith.constant 0 : i32
        %dma_start3A_138 = arith.constant 0 : i32
        %dma_start3A_139 = tpu.memref_slice %arg5[%dma_start3A_137, %dma_start3A_138] : memref<1280x128xf32, #tpu.memory_space<vmem_shared>> -> memref<1280x128xf32, #tpu.memory_space<vmem_shared>>
        tpu.enqueue_indirect_dma source(%dma_start3A_139 : memref<1280x128xf32, #tpu.memory_space<vmem_shared>>) target(%dma_start3A_133 : memref<100x128xf32, #tpu.memory_space<vmem>>) offsets(%dma_start3A_136 : memref<100xi32, #tpu.memory_space<vmem>>) semaphore(%arg8 : memref<!tpu.dma_semaphore, #tpu.memory_space<semaphore_mem>>)
      } else {
      }
      %mul3A_76 = arith.constant 5000 : i32
      %mul3A_77 = arith.muli %add3A, %mul3A_76 : i32
      %mul3A_78 = arith.constant 200 : i32
      %mul3A_79 = arith.muli %scan3A_39, %mul3A_78 : i32
      %add3A_80 = arith.addi %mul3A_77, %mul3A_79 : i32
      %multiple_of3A = tpu.assume_multiple %add3A_80, 8 : i32
      %dma_start3A_81 = arith.constant 0 : i32
      %dma_start3A_82 = arith.constant 0 : i32
      %dma_start3A_83 = tpu.memref_slice %arg7[%rem3A_40, %dma_start3A_81, %dma_start3A_82] : memref<2x200x128xf32, #tpu.memory_space<vmem>> -> memref<1x200x128xf32, #tpu.memory_space<vmem>>
      %dma_start3A_84 = tpu.memref_squeeze %dma_start3A_83 : memref<1x200x128xf32, #tpu.memory_space<vmem>> -> memref<200x128xf32, #tpu.memory_space<vmem>>
      %dma_start3A_85 = arith.constant 0 : i32
      %dma_start3A_86 = tpu.memref_slice %arg4[%multiple_of3A, %dma_start3A_85] : memref<160000x128xf32, #tpu.memory_space<hbm>> -> memref<200x128xf32, #tpu.memory_space<hbm>>
      %dma_start3A_87 = arith.constant 0 : i32
      %dma_start3A_88 = tpu.memref_slice %arg4[%multiple_of3A, %dma_start3A_87] : memref<160000x128xf32, #tpu.memory_space<hbm>> -> memref<200x128xf32, #tpu.memory_space<hbm>>
      %dma_start3A_89 = arith.constant 0 : i32
      %dma_start3A_90 = arith.constant 0 : i32
      %dma_start3A_91 = tpu.memref_slice %arg7[%rem3A_40, %dma_start3A_89, %dma_start3A_90] : memref<2x200x128xf32, #tpu.memory_space<vmem>> -> memref<1x200x128xf32, #tpu.memory_space<vmem>>
      %dma_start3A_92 = tpu.memref_squeeze %dma_start3A_91 : memref<1x200x128xf32, #tpu.memory_space<vmem>> -> memref<200x128xf32, #tpu.memory_space<vmem>>
      tpu.enqueue_dma source(%dma_start3A_92 : memref<200x128xf32, #tpu.memory_space<vmem>>) target(%dma_start3A_88 : memref<200x128xf32, #tpu.memory_space<hbm>>) target_semaphore(%arg9 : memref<!tpu.dma_semaphore, #tpu.memory_space<semaphore_mem>>)
      %dma_wait3A_93 = arith.constant 0 : i32
      %dma_wait3A_94 = arith.constant 0 : i32
      %dma_wait3A_95 = tpu.memref_slice %arg7[%rem3A_40, %dma_wait3A_93, %dma_wait3A_94] : memref<2x200x128xf32, #tpu.memory_space<vmem>> -> memref<1x200x128xf32, #tpu.memory_space<vmem>>
      %dma_wait3A_96 = tpu.memref_squeeze %dma_wait3A_95 : memref<1x200x128xf32, #tpu.memory_space<vmem>> -> memref<200x128xf32, #tpu.memory_space<vmem>>
      %dma_wait3A_97 = arith.constant 0 : i32
      %dma_wait3A_98 = tpu.memref_slice %arg4[%multiple_of3A, %dma_wait3A_97] : memref<160000x128xf32, #tpu.memory_space<hbm>> -> memref<200x128xf32, #tpu.memory_space<hbm>>
      %dma_wait3A_99 = arith.constant 0 : i32
      %dma_wait3A_100 = tpu.memref_slice %arg4[%multiple_of3A, %dma_wait3A_99] : memref<160000x128xf32, #tpu.memory_space<hbm>> -> memref<200x128xf32, #tpu.memory_space<hbm>>
      %dma_wait3A_101 = arith.constant 0 : i32
      %dma_wait3A_102 = arith.constant 0 : i32
      %dma_wait3A_103 = tpu.memref_slice %arg7[%rem3A_40, %dma_wait3A_101, %dma_wait3A_102] : memref<2x200x128xf32, #tpu.memory_space<vmem>> -> memref<1x200x128xf32, #tpu.memory_space<vmem>>
      %dma_wait3A_104 = tpu.memref_squeeze %dma_wait3A_103 : memref<1x200x128xf32, #tpu.memory_space<vmem>> -> memref<200x128xf32, #tpu.memory_space<vmem>>
      tpu.wait_dma2 semaphore(%arg9 : memref<!tpu.dma_semaphore, #tpu.memory_space<semaphore_mem>>) src(%dma_wait3A_104 : memref<200x128xf32, #tpu.memory_space<vmem>>) dst(%dma_wait3A_100 : memref<200x128xf32, #tpu.memory_space<hbm>>)
    }
    %scan3A_38 = arith.constant 25 : i32
    return
  }
}

#map = affine_map<(d0, d1) -> (0, 0)>
#map1 = affine_map<(d0, d1) -> (0, 0, 0)>
module attributes {stable_mosaic.version = 14 : i64} {
  func.func @sc_scatter(%arg0: i32, %arg1: i32, %arg2: memref<160000x128xf32, #tpu.memory_space<hbm>>, %arg3: memref<32x50x100xi32, #tpu.memory_space<hbm>>, %arg4: memref<1280x128xf32, #tpu.memory_space<hbm>>, %arg5: memref<2x1280x128xf32, #tpu.memory_space<hbm>>, %arg6: memref<1280x128xf32, #tpu.memory_space<vmem_shared>>, %arg7: memref<50x100xi32, #tpu.memory_space<vmem>>, %arg8: memref<2x200x128xf32, #tpu.memory_space<vmem>>, %arg9: memref<!tpu.dma_semaphore, #tpu.memory_space<semaphore_mem>>) attributes {dimension_semantics = [#tpu.dimension_semantics<core_parallel>, #tpu.dimension_semantics<subcore_parallel>], iteration_bounds = array<i64: 2, 16>, scalar_prefetch = 0 : i64, scratch_operands = 4 : i64, tpu.core_type = #tpu.core_type<sc_vector_subcore>, window_params = [{transform_indices = #map}, {transform_indices = #map1}, {transform_indices = #map}, {transform_indices = #map1}]} {
    %mul3A = arith.constant 2 : i32
    %mul3A_0 = arith.muli %arg1, %mul3A : i32
    %add3A = arith.addi %mul3A_0, %arg0 : i32
    "tpu.region"() ({
      %run_scoped3A = tpu.sem_alloc : memref<!tpu.dma_semaphore, #tpu.memory_space<semaphore_mem>>
      %dma_start3A_31 = arith.constant 0 : i32
      %dma_start3A_32 = arith.constant 0 : i32
      %dma_start3A_33 = tpu.memref_slice %arg3[%add3A, %dma_start3A_31, %dma_start3A_32] : memref<32x50x100xi32, #tpu.memory_space<hbm>> -> memref<1x50x100xi32, #tpu.memory_space<hbm>>
      %dma_start3A_34 = tpu.memref_squeeze %dma_start3A_33 : memref<1x50x100xi32, #tpu.memory_space<hbm>> -> memref<50x100xi32, #tpu.memory_space<hbm>>
      %dma_start3A_35 = arith.constant 0 : i32
      %dma_start3A_36 = arith.constant 0 : i32
      %dma_start3A_37 = tpu.memref_slice %arg3[%add3A, %dma_start3A_35, %dma_start3A_36] : memref<32x50x100xi32, #tpu.memory_space<hbm>> -> memref<1x50x100xi32, #tpu.memory_space<hbm>>
      %dma_start3A_38 = tpu.memref_squeeze %dma_start3A_37 : memref<1x50x100xi32, #tpu.memory_space<hbm>> -> memref<50x100xi32, #tpu.memory_space<hbm>>
      tpu.enqueue_dma source(%dma_start3A_38 : memref<50x100xi32, #tpu.memory_space<hbm>>) target(%arg7 : memref<50x100xi32, #tpu.memory_space<vmem>>) target_semaphore(%run_scoped3A : memref<!tpu.dma_semaphore, #tpu.memory_space<semaphore_mem>>)
      %dma_wait3A = arith.constant 0 : i32
      %dma_wait3A_39 = arith.constant 0 : i32
      %dma_wait3A_40 = tpu.memref_slice %arg3[%add3A, %dma_wait3A, %dma_wait3A_39] : memref<32x50x100xi32, #tpu.memory_space<hbm>> -> memref<1x50x100xi32, #tpu.memory_space<hbm>>
      %dma_wait3A_41 = tpu.memref_squeeze %dma_wait3A_40 : memref<1x50x100xi32, #tpu.memory_space<hbm>> -> memref<50x100xi32, #tpu.memory_space<hbm>>
      %dma_wait3A_42 = arith.constant 0 : i32
      %dma_wait3A_43 = arith.constant 0 : i32
      %dma_wait3A_44 = tpu.memref_slice %arg3[%add3A, %dma_wait3A_42, %dma_wait3A_43] : memref<32x50x100xi32, #tpu.memory_space<hbm>> -> memref<1x50x100xi32, #tpu.memory_space<hbm>>
      %dma_wait3A_45 = tpu.memref_squeeze %dma_wait3A_44 : memref<1x50x100xi32, #tpu.memory_space<hbm>> -> memref<50x100xi32, #tpu.memory_space<hbm>>
      tpu.wait_dma2 semaphore(%run_scoped3A : memref<!tpu.dma_semaphore, #tpu.memory_space<semaphore_mem>>) src(%dma_wait3A_45 : memref<50x100xi32, #tpu.memory_space<hbm>>) dst(%arg7 : memref<50x100xi32, #tpu.memory_space<vmem>>)
      tpu.yield
    }) : () -> ()
    %mul3A_1 = arith.constant 80 : i32
    %mul3A_2 = arith.muli %arg1, %mul3A_1 : i32
    %mul3A_3 = arith.constant 80 : i32
    %mul3A_4 = arith.muli %arg1, %mul3A_3 : i32
    "tpu.region"() ({
      %run_scoped3A = tpu.sem_alloc : memref<!tpu.dma_semaphore, #tpu.memory_space<semaphore_mem>>
      %dma_start3A_31 = arith.constant 0 : i32
      %dma_start3A_32 = tpu.memref_slice %arg6[%mul3A_4, %dma_start3A_31] : memref<1280x128xf32, #tpu.memory_space<vmem_shared>> -> memref<80x128xf32, #tpu.memory_space<vmem_shared>>
      %dma_start3A_33 = arith.constant 0 : i32
      %dma_start3A_34 = tpu.memref_slice %arg4[%mul3A_2, %dma_start3A_33] : memref<1280x128xf32, #tpu.memory_space<hbm>> -> memref<80x128xf32, #tpu.memory_space<hbm>>
      tpu.enqueue_dma source(%dma_start3A_34 : memref<80x128xf32, #tpu.memory_space<hbm>>) target(%dma_start3A_32 : memref<80x128xf32, #tpu.memory_space<vmem_shared>>) target_semaphore(%run_scoped3A : memref<!tpu.dma_semaphore, #tpu.memory_space<semaphore_mem>>)
      %dma_wait3A = arith.constant 0 : i32
      %dma_wait3A_35 = tpu.memref_slice %arg6[%mul3A_4, %dma_wait3A] : memref<1280x128xf32, #tpu.memory_space<vmem_shared>> -> memref<80x128xf32, #tpu.memory_space<vmem_shared>>
      %dma_wait3A_36 = arith.constant 0 : i32
      %dma_wait3A_37 = tpu.memref_slice %arg4[%mul3A_2, %dma_wait3A_36] : memref<1280x128xf32, #tpu.memory_space<hbm>> -> memref<80x128xf32, #tpu.memory_space<hbm>>
      tpu.wait_dma2 semaphore(%run_scoped3A : memref<!tpu.dma_semaphore, #tpu.memory_space<semaphore_mem>>) src(%dma_wait3A_37 : memref<80x128xf32, #tpu.memory_space<hbm>>) dst(%dma_wait3A_35 : memref<80x128xf32, #tpu.memory_space<vmem_shared>>)
      tpu.yield
    }) : () -> ()
    %barrier3A = arith.constant 0 : index
    tpu.barrier barrier_id(%barrier3A)
    %mul3A_5 = arith.constant 5000 : i32
    %mul3A_6 = arith.muli %add3A, %mul3A_5 : i32
    %add3A_7 = arith.constant 0 : i32
    %add3A_8 = arith.addi %mul3A_6, %add3A_7 : i32
    %multiple_of3A = tpu.assume_multiple %add3A_8, 8 : i32
    %dma_start3A = arith.constant 0 : i32
    %dma_start3A_9 = arith.constant 0 : i32
    %dma_start3A_10 = arith.constant 0 : i32
    %dma_start3A_11 = tpu.memref_slice %arg8[%dma_start3A, %dma_start3A_9, %dma_start3A_10] : memref<2x200x128xf32, #tpu.memory_space<vmem>> -> memref<1x200x128xf32, #tpu.memory_space<vmem>>
    %dma_start3A_12 = tpu.memref_squeeze %dma_start3A_11 : memref<1x200x128xf32, #tpu.memory_space<vmem>> -> memref<200x128xf32, #tpu.memory_space<vmem>>
    %dma_start3A_13 = arith.constant 0 : i32
    %dma_start3A_14 = tpu.memref_slice %arg2[%multiple_of3A, %dma_start3A_13] : memref<160000x128xf32, #tpu.memory_space<hbm>> -> memref<200x128xf32, #tpu.memory_space<hbm>>
    %dma_start3A_15 = arith.constant 0 : i32
    %dma_start3A_16 = arith.constant 0 : i32
    %dma_start3A_17 = tpu.memref_slice %arg8[%dma_start3A, %dma_start3A_15, %dma_start3A_16] : memref<2x200x128xf32, #tpu.memory_space<vmem>> -> memref<1x200x128xf32, #tpu.memory_space<vmem>>
    %dma_start3A_18 = tpu.memref_squeeze %dma_start3A_17 : memref<1x200x128xf32, #tpu.memory_space<vmem>> -> memref<200x128xf32, #tpu.memory_space<vmem>>
    %dma_start3A_19 = arith.constant 0 : i32
    %dma_start3A_20 = tpu.memref_slice %arg2[%multiple_of3A, %dma_start3A_19] : memref<160000x128xf32, #tpu.memory_space<hbm>> -> memref<200x128xf32, #tpu.memory_space<hbm>>
    tpu.enqueue_dma source(%dma_start3A_20 : memref<200x128xf32, #tpu.memory_space<hbm>>) target(%dma_start3A_18 : memref<200x128xf32, #tpu.memory_space<vmem>>) target_semaphore(%arg9 : memref<!tpu.dma_semaphore, #tpu.memory_space<semaphore_mem>>)
    %scan3A = arith.constant 0 : i32
    %scan3A_21 = arith.constant 0 : i32
    %scan3A_22 = arith.constant 25 : i32
    %scan3A_23 = arith.addi %scan3A_21, %scan3A_22 : i32
    %scan3A_24 = arith.constant 1 : i32
    scf.for %scan3A_31 = %scan3A_21 to %scan3A_23 step %scan3A_24  : i32 {
      %rem3A = arith.constant 2 : i32
      %rem3A_32 = arith.remsi %scan3A_31, %rem3A : i32
      %mul3A_33 = arith.constant 5000 : i32
      %mul3A_34 = arith.muli %add3A, %mul3A_33 : i32
      %mul3A_35 = arith.constant 200 : i32
      %mul3A_36 = arith.muli %scan3A_31, %mul3A_35 : i32
      %add3A_37 = arith.addi %mul3A_34, %mul3A_36 : i32
      %multiple_of3A_38 = tpu.assume_multiple %add3A_37, 8 : i32
      %dma_wait3A = arith.constant 0 : i32
      %dma_wait3A_39 = arith.constant 0 : i32
      %dma_wait3A_40 = tpu.memref_slice %arg8[%rem3A_32, %dma_wait3A, %dma_wait3A_39] : memref<2x200x128xf32, #tpu.memory_space<vmem>> -> memref<1x200x128xf32, #tpu.memory_space<vmem>>
      %dma_wait3A_41 = tpu.memref_squeeze %dma_wait3A_40 : memref<1x200x128xf32, #tpu.memory_space<vmem>> -> memref<200x128xf32, #tpu.memory_space<vmem>>
      %dma_wait3A_42 = arith.constant 0 : i32
      %dma_wait3A_43 = tpu.memref_slice %arg2[%multiple_of3A_38, %dma_wait3A_42] : memref<160000x128xf32, #tpu.memory_space<hbm>> -> memref<200x128xf32, #tpu.memory_space<hbm>>
      %dma_wait3A_44 = arith.constant 0 : i32
      %dma_wait3A_45 = arith.constant 0 : i32
      %dma_wait3A_46 = tpu.memref_slice %arg8[%rem3A_32, %dma_wait3A_44, %dma_wait3A_45] : memref<2x200x128xf32, #tpu.memory_space<vmem>> -> memref<1x200x128xf32, #tpu.memory_space<vmem>>
      %dma_wait3A_47 = tpu.memref_squeeze %dma_wait3A_46 : memref<1x200x128xf32, #tpu.memory_space<vmem>> -> memref<200x128xf32, #tpu.memory_space<vmem>>
      %dma_wait3A_48 = arith.constant 0 : i32
      %dma_wait3A_49 = tpu.memref_slice %arg2[%multiple_of3A_38, %dma_wait3A_48] : memref<160000x128xf32, #tpu.memory_space<hbm>> -> memref<200x128xf32, #tpu.memory_space<hbm>>
      tpu.wait_dma2 semaphore(%arg9 : memref<!tpu.dma_semaphore, #tpu.memory_space<semaphore_mem>>) src(%dma_wait3A_49 : memref<200x128xf32, #tpu.memory_space<hbm>>) dst(%dma_wait3A_47 : memref<200x128xf32, #tpu.memory_space<vmem>>)
      %add3A_50 = arith.constant 1 : i32
      %add3A_51 = arith.addi %scan3A_31, %add3A_50 : i32
      %lt3A = arith.constant 25 : i32
      %lt3A_52 = arith.cmpi slt, %add3A_51, %lt3A : i32
      %convert_element_type3A = arith.extui %lt3A_52 : i1 to i32
      %cond3A = arith.constant 0 : i32
      %cond3A_53 = arith.cmpi ne, %convert_element_type3A, %cond3A : i32
      scf.if %cond3A_53 {
        %add3A_60 = arith.constant 1 : i32
        %add3A_61 = arith.addi %scan3A_31, %add3A_60 : i32
        %sub3A = arith.constant 1 : i32
        %sub3A_62 = arith.subi %sub3A, %rem3A_32 : i32
        %mul3A_63 = arith.constant 5000 : i32
        %mul3A_64 = arith.muli %add3A, %mul3A_63 : i32
        %mul3A_65 = arith.constant 200 : i32
        %mul3A_66 = arith.muli %add3A_61, %mul3A_65 : i32
        %add3A_67 = arith.addi %mul3A_64, %mul3A_66 : i32
        %multiple_of3A_68 = tpu.assume_multiple %add3A_67, 8 : i32
        %dma_start3A_69 = arith.constant 0 : i32
        %dma_start3A_70 = arith.constant 0 : i32
        %dma_start3A_71 = tpu.memref_slice %arg8[%sub3A_62, %dma_start3A_69, %dma_start3A_70] : memref<2x200x128xf32, #tpu.memory_space<vmem>> -> memref<1x200x128xf32, #tpu.memory_space<vmem>>
        %dma_start3A_72 = tpu.memref_squeeze %dma_start3A_71 : memref<1x200x128xf32, #tpu.memory_space<vmem>> -> memref<200x128xf32, #tpu.memory_space<vmem>>
        %dma_start3A_73 = arith.constant 0 : i32
        %dma_start3A_74 = tpu.memref_slice %arg2[%multiple_of3A_68, %dma_start3A_73] : memref<160000x128xf32, #tpu.memory_space<hbm>> -> memref<200x128xf32, #tpu.memory_space<hbm>>
        %dma_start3A_75 = arith.constant 0 : i32
        %dma_start3A_76 = arith.constant 0 : i32
        %dma_start3A_77 = tpu.memref_slice %arg8[%sub3A_62, %dma_start3A_75, %dma_start3A_76] : memref<2x200x128xf32, #tpu.memory_space<vmem>> -> memref<1x200x128xf32, #tpu.memory_space<vmem>>
        %dma_start3A_78 = tpu.memref_squeeze %dma_start3A_77 : memref<1x200x128xf32, #tpu.memory_space<vmem>> -> memref<200x128xf32, #tpu.memory_space<vmem>>
        %dma_start3A_79 = arith.constant 0 : i32
        %dma_start3A_80 = tpu.memref_slice %arg2[%multiple_of3A_68, %dma_start3A_79] : memref<160000x128xf32, #tpu.memory_space<hbm>> -> memref<200x128xf32, #tpu.memory_space<hbm>>
        tpu.enqueue_dma source(%dma_start3A_80 : memref<200x128xf32, #tpu.memory_space<hbm>>) target(%dma_start3A_78 : memref<200x128xf32, #tpu.memory_space<vmem>>) target_semaphore(%arg9 : memref<!tpu.dma_semaphore, #tpu.memory_space<semaphore_mem>>)
      } else {
      }
      %mul3A_54 = arith.constant 2 : i32
      %mul3A_55 = arith.muli %mul3A_54, %scan3A_31 : i32
      "tpu.region"() ({
        %run_scoped3A = tpu.sem_alloc : memref<!tpu.dma_semaphore, #tpu.memory_space<semaphore_mem>>
        %dma_start3A_60 = arith.constant 0 : i32
        %dma_start3A_61 = arith.constant 0 : i32
        %dma_start3A_62 = tpu.memref_slice %arg8[%rem3A_32, %dma_start3A_60, %dma_start3A_61] : memref<2x200x128xf32, #tpu.memory_space<vmem>> -> memref<1x200x128xf32, #tpu.memory_space<vmem>>
        %dma_start3A_63 = tpu.memref_squeeze %dma_start3A_62 : memref<1x200x128xf32, #tpu.memory_space<vmem>> -> memref<200x128xf32, #tpu.memory_space<vmem>>
        %dma_start3A_64 = arith.constant 0 : i32
        %dma_start3A_65 = arith.constant 0 : i32
        %dma_start3A_66 = tpu.memref_slice %dma_start3A_63[%dma_start3A_64, %dma_start3A_65] : memref<200x128xf32, #tpu.memory_space<vmem>> -> memref<100x128xf32, #tpu.memory_space<vmem>>
        %dma_start3A_67 = arith.constant 0 : i32
        %dma_start3A_68 = tpu.memref_slice %arg7[%mul3A_55, %dma_start3A_67] : memref<50x100xi32, #tpu.memory_space<vmem>> -> memref<1x100xi32, #tpu.memory_space<vmem>>
        %dma_start3A_69 = tpu.memref_squeeze %dma_start3A_68 : memref<1x100xi32, #tpu.memory_space<vmem>> -> memref<100xi32, #tpu.memory_space<vmem>>
        %dma_start3A_70 = arith.constant 0 : i32
        %dma_start3A_71 = arith.constant 0 : i32
        %dma_start3A_72 = tpu.memref_slice %arg6[%dma_start3A_70, %dma_start3A_71] : memref<1280x128xf32, #tpu.memory_space<vmem_shared>> -> memref<1280x128xf32, #tpu.memory_space<vmem_shared>>
        tpu.enqueue_indirect_dma source(%dma_start3A_66 : memref<100x128xf32, #tpu.memory_space<vmem>>) target(%dma_start3A_72 : memref<1280x128xf32, #tpu.memory_space<vmem_shared>>) offsets(%dma_start3A_69 : memref<100xi32, #tpu.memory_space<vmem>>) semaphore(%run_scoped3A : memref<!tpu.dma_semaphore, #tpu.memory_space<semaphore_mem>>) {add = true}
        %dma_wait3A_73 = arith.constant 0 : i32
        %dma_wait3A_74 = arith.constant 0 : i32
        %dma_wait3A_75 = tpu.memref_slice %arg8[%rem3A_32, %dma_wait3A_73, %dma_wait3A_74] : memref<2x200x128xf32, #tpu.memory_space<vmem>> -> memref<1x200x128xf32, #tpu.memory_space<vmem>>
        %dma_wait3A_76 = tpu.memref_squeeze %dma_wait3A_75 : memref<1x200x128xf32, #tpu.memory_space<vmem>> -> memref<200x128xf32, #tpu.memory_space<vmem>>
        %dma_wait3A_77 = arith.constant 0 : i32
        %dma_wait3A_78 = arith.constant 0 : i32
        %dma_wait3A_79 = tpu.memref_slice %dma_wait3A_76[%dma_wait3A_77, %dma_wait3A_78] : memref<200x128xf32, #tpu.memory_space<vmem>> -> memref<100x128xf32, #tpu.memory_space<vmem>>
        %dma_wait3A_80 = arith.constant 0 : i32
        %dma_wait3A_81 = tpu.memref_slice %arg7[%mul3A_55, %dma_wait3A_80] : memref<50x100xi32, #tpu.memory_space<vmem>> -> memref<1x100xi32, #tpu.memory_space<vmem>>
        %dma_wait3A_82 = tpu.memref_squeeze %dma_wait3A_81 : memref<1x100xi32, #tpu.memory_space<vmem>> -> memref<100xi32, #tpu.memory_space<vmem>>
        %dma_wait3A_83 = arith.constant 0 : i32
        %dma_wait3A_84 = arith.constant 0 : i32
        %dma_wait3A_85 = tpu.memref_slice %arg6[%dma_wait3A_83, %dma_wait3A_84] : memref<1280x128xf32, #tpu.memory_space<vmem_shared>> -> memref<1280x128xf32, #tpu.memory_space<vmem_shared>>
        tpu.wait_indirect_dma semaphore(%run_scoped3A : memref<!tpu.dma_semaphore, #tpu.memory_space<semaphore_mem>>) src(%dma_wait3A_79 : memref<100x128xf32, #tpu.memory_space<vmem>>) dst(%dma_wait3A_85 : memref<1280x128xf32, #tpu.memory_space<vmem_shared>>)
        tpu.yield
      }) : () -> ()
      %mul3A_56 = arith.constant 2 : i32
      %mul3A_57 = arith.muli %mul3A_56, %scan3A_31 : i32
      %add3A_58 = arith.constant 1 : i32
      %add3A_59 = arith.addi %mul3A_57, %add3A_58 : i32
      "tpu.region"() ({
        %run_scoped3A = tpu.sem_alloc : memref<!tpu.dma_semaphore, #tpu.memory_space<semaphore_mem>>
        %dma_start3A_60 = arith.constant 0 : i32
        %dma_start3A_61 = arith.constant 0 : i32
        %dma_start3A_62 = tpu.memref_slice %arg8[%rem3A_32, %dma_start3A_60, %dma_start3A_61] : memref<2x200x128xf32, #tpu.memory_space<vmem>> -> memref<1x200x128xf32, #tpu.memory_space<vmem>>
        %dma_start3A_63 = tpu.memref_squeeze %dma_start3A_62 : memref<1x200x128xf32, #tpu.memory_space<vmem>> -> memref<200x128xf32, #tpu.memory_space<vmem>>
        %dma_start3A_64 = arith.constant 100 : i32
        %dma_start3A_65 = arith.constant 0 : i32
        %dma_start3A_66 = tpu.memref_slice %dma_start3A_63[%dma_start3A_64, %dma_start3A_65] : memref<200x128xf32, #tpu.memory_space<vmem>> -> memref<100x128xf32, #tpu.memory_space<vmem>>
        %dma_start3A_67 = arith.constant 0 : i32
        %dma_start3A_68 = tpu.memref_slice %arg7[%add3A_59, %dma_start3A_67] : memref<50x100xi32, #tpu.memory_space<vmem>> -> memref<1x100xi32, #tpu.memory_space<vmem>>
        %dma_start3A_69 = tpu.memref_squeeze %dma_start3A_68 : memref<1x100xi32, #tpu.memory_space<vmem>> -> memref<100xi32, #tpu.memory_space<vmem>>
        %dma_start3A_70 = arith.constant 0 : i32
        %dma_start3A_71 = arith.constant 0 : i32
        %dma_start3A_72 = tpu.memref_slice %arg6[%dma_start3A_70, %dma_start3A_71] : memref<1280x128xf32, #tpu.memory_space<vmem_shared>> -> memref<1280x128xf32, #tpu.memory_space<vmem_shared>>
        tpu.enqueue_indirect_dma source(%dma_start3A_66 : memref<100x128xf32, #tpu.memory_space<vmem>>) target(%dma_start3A_72 : memref<1280x128xf32, #tpu.memory_space<vmem_shared>>) offsets(%dma_start3A_69 : memref<100xi32, #tpu.memory_space<vmem>>) semaphore(%run_scoped3A : memref<!tpu.dma_semaphore, #tpu.memory_space<semaphore_mem>>) {add = true}
        %dma_wait3A_73 = arith.constant 0 : i32
        %dma_wait3A_74 = arith.constant 0 : i32
        %dma_wait3A_75 = tpu.memref_slice %arg8[%rem3A_32, %dma_wait3A_73, %dma_wait3A_74] : memref<2x200x128xf32, #tpu.memory_space<vmem>> -> memref<1x200x128xf32, #tpu.memory_space<vmem>>
        %dma_wait3A_76 = tpu.memref_squeeze %dma_wait3A_75 : memref<1x200x128xf32, #tpu.memory_space<vmem>> -> memref<200x128xf32, #tpu.memory_space<vmem>>
        %dma_wait3A_77 = arith.constant 100 : i32
        %dma_wait3A_78 = arith.constant 0 : i32
        %dma_wait3A_79 = tpu.memref_slice %dma_wait3A_76[%dma_wait3A_77, %dma_wait3A_78] : memref<200x128xf32, #tpu.memory_space<vmem>> -> memref<100x128xf32, #tpu.memory_space<vmem>>
        %dma_wait3A_80 = arith.constant 0 : i32
        %dma_wait3A_81 = tpu.memref_slice %arg7[%add3A_59, %dma_wait3A_80] : memref<50x100xi32, #tpu.memory_space<vmem>> -> memref<1x100xi32, #tpu.memory_space<vmem>>
        %dma_wait3A_82 = tpu.memref_squeeze %dma_wait3A_81 : memref<1x100xi32, #tpu.memory_space<vmem>> -> memref<100xi32, #tpu.memory_space<vmem>>
        %dma_wait3A_83 = arith.constant 0 : i32
        %dma_wait3A_84 = arith.constant 0 : i32
        %dma_wait3A_85 = tpu.memref_slice %arg6[%dma_wait3A_83, %dma_wait3A_84] : memref<1280x128xf32, #tpu.memory_space<vmem_shared>> -> memref<1280x128xf32, #tpu.memory_space<vmem_shared>>
        tpu.wait_indirect_dma semaphore(%run_scoped3A : memref<!tpu.dma_semaphore, #tpu.memory_space<semaphore_mem>>) src(%dma_wait3A_79 : memref<100x128xf32, #tpu.memory_space<vmem>>) dst(%dma_wait3A_85 : memref<1280x128xf32, #tpu.memory_space<vmem_shared>>)
        tpu.yield
      }) : () -> ()
    }
    %scan3A_25 = arith.constant 25 : i32
    %barrier3A_26 = arith.constant 0 : index
    tpu.barrier barrier_id(%barrier3A_26)
    %mul3A_27 = arith.constant 80 : i32
    %mul3A_28 = arith.muli %arg1, %mul3A_27 : i32
    %mul3A_29 = arith.constant 80 : i32
    %mul3A_30 = arith.muli %arg1, %mul3A_29 : i32
    "tpu.region"() ({
      %run_scoped3A = tpu.sem_alloc : memref<!tpu.dma_semaphore, #tpu.memory_space<semaphore_mem>>
      %dma_start3A_31 = arith.constant 0 : i32
      %dma_start3A_32 = tpu.memref_slice %arg5[%arg0, %mul3A_30, %dma_start3A_31] : memref<2x1280x128xf32, #tpu.memory_space<hbm>> -> memref<1x80x128xf32, #tpu.memory_space<hbm>>
      %dma_start3A_33 = tpu.memref_squeeze %dma_start3A_32 : memref<1x80x128xf32, #tpu.memory_space<hbm>> -> memref<80x128xf32, #tpu.memory_space<hbm>>
      %dma_start3A_34 = arith.constant 0 : i32
      %dma_start3A_35 = tpu.memref_slice %arg6[%mul3A_28, %dma_start3A_34] : memref<1280x128xf32, #tpu.memory_space<vmem_shared>> -> memref<80x128xf32, #tpu.memory_space<vmem_shared>>
      tpu.enqueue_dma source(%dma_start3A_35 : memref<80x128xf32, #tpu.memory_space<vmem_shared>>) target(%dma_start3A_33 : memref<80x128xf32, #tpu.memory_space<hbm>>) target_semaphore(%run_scoped3A : memref<!tpu.dma_semaphore, #tpu.memory_space<semaphore_mem>>)
      %dma_wait3A = arith.constant 0 : i32
      %dma_wait3A_36 = tpu.memref_slice %arg5[%arg0, %mul3A_30, %dma_wait3A] : memref<2x1280x128xf32, #tpu.memory_space<hbm>> -> memref<1x80x128xf32, #tpu.memory_space<hbm>>
      %dma_wait3A_37 = tpu.memref_squeeze %dma_wait3A_36 : memref<1x80x128xf32, #tpu.memory_space<hbm>> -> memref<80x128xf32, #tpu.memory_space<hbm>>
      %dma_wait3A_38 = arith.constant 0 : i32
      %dma_wait3A_39 = tpu.memref_slice %arg6[%mul3A_28, %dma_wait3A_38] : memref<1280x128xf32, #tpu.memory_space<vmem_shared>> -> memref<80x128xf32, #tpu.memory_space<vmem_shared>>
      tpu.wait_dma2 semaphore(%run_scoped3A : memref<!tpu.dma_semaphore, #tpu.memory_space<semaphore_mem>>) src(%dma_wait3A_39 : memref<80x128xf32, #tpu.memory_space<vmem_shared>>) dst(%dma_wait3A_37 : memref<80x128xf32, #tpu.memory_space<hbm>>)
      tpu.yield
    }) : () -> ()
    return
  }
}

module attributes {stable_mosaic.version = 14 : i64} {
  func.func @_tc_body(%arg0: i32, %arg1: memref<4000x1xf32, #tpu.memory_space<vmem>>, %arg2: memref<4000x128xf32, #tpu.memory_space<vmem>>, %arg3: memref<4000x1xi32, #tpu.memory_space<vmem>>, %arg4: memref<4000x1xi32, #tpu.memory_space<vmem>>, %arg5: memref<1x64xf32, #tpu.memory_space<vmem>>, %arg6: memref<1x64xf32, #tpu.memory_space<vmem>>, %arg7: memref<64x256xf32, #tpu.memory_space<vmem>>, %arg8: memref<1x256xf32, #tpu.memory_space<vmem>>, %arg9: memref<128x256xf32, #tpu.memory_space<vmem>>, %arg10: memref<256x16xf32, #tpu.memory_space<vmem>>, %arg11: memref<16x128xf32, #tpu.memory_space<vmem>>, %arg12: memref<4000x128xf32, #tpu.memory_space<vmem>>) attributes {dimension_semantics = [#tpu.dimension_semantics<arbitrary>], iteration_bounds = array<i64: 40>, scalar_prefetch = 0 : i64, scratch_operands = 0 : i64, tpu.core_type = #tpu.core_type<tc>, window_params = [{transform_indices = @transform_0, window_bounds = array<i64: 4000, 1>}, {transform_indices = @transform_1, window_bounds = array<i64: 4000, 128>}, {transform_indices = @transform_2, window_bounds = array<i64: 4000, 1>}, {transform_indices = @transform_3, window_bounds = array<i64: 4000, 1>}, {pipeline_mode = #tpu.pipeline_mode<synchronous>, transform_indices = @transform_4, window_bounds = array<i64: 1, 64>}, {pipeline_mode = #tpu.pipeline_mode<synchronous>, transform_indices = @transform_5, window_bounds = array<i64: 1, 64>}, {pipeline_mode = #tpu.pipeline_mode<synchronous>, transform_indices = @transform_6, window_bounds = array<i64: 64, 256>}, {pipeline_mode = #tpu.pipeline_mode<synchronous>, transform_indices = @transform_7, window_bounds = array<i64: 1, 256>}, {pipeline_mode = #tpu.pipeline_mode<synchronous>, transform_indices = @transform_8, window_bounds = array<i64: 128, 256>}, {pipeline_mode = #tpu.pipeline_mode<synchronous>, transform_indices = @transform_9, window_bounds = array<i64: 256, 16>}, {pipeline_mode = #tpu.pipeline_mode<synchronous>, transform_indices = @transform_10, window_bounds = array<i64: 16, 128>}, {transform_indices = @transform_11, window_bounds = array<i64: 4000, 128>}]} {
    %iota3A = tpu.iota {dimensions = array<i32: 1>} : vector<4000x128xi32>
    %shift_right_arithmetic3A = arith.constant 4 : i32
    %shift_right_arithmetic3A_0 = vector.broadcast %shift_right_arithmetic3A : i32 to vector<4000x128xi32>
    %shift_right_arithmetic3A_1 = arith.shrsi %iota3A, %shift_right_arithmetic3A_0 : vector<4000x128xi32>
    %get3A = arith.constant 0 : index
    %get3A_2 = arith.constant 0 : index
    %get3A_3 = vector.load %arg3[%get3A, %get3A_2] : memref<4000x1xi32, #tpu.memory_space<vmem>>, vector<4000x1xi32>
    %eq3A = vector.broadcast %get3A_3 : vector<4000x1xi32> to vector<4000x128xi32>
    %eq3A_4 = arith.cmpi eq, %shift_right_arithmetic3A_1, %eq3A : vector<4000x128xi32>
    %get3A_5 = arith.constant 0 : index
    %get3A_6 = arith.constant 0 : index
    %get3A_7 = vector.load %arg2[%get3A_5, %get3A_6] : memref<4000x128xf32, #tpu.memory_space<vmem>>, vector<4000x128xf32>
    %jit3A = arith.constant 0.000000e+00 : f32
    %broadcast_in_dim3A = vector.broadcast %jit3A : f32 to vector<4000x128xf32>
    %select_n3A = arith.select %eq3A_4, %get3A_7, %broadcast_in_dim3A : vector<4000x128xi1>, vector<4000x128xf32>
    %get3A_8 = arith.constant 0 : index
    %get3A_9 = arith.constant 0 : index
    %get3A_10 = vector.load %arg1[%get3A_8, %get3A_9] : memref<4000x1xf32, #tpu.memory_space<vmem>>, vector<4000x1xf32>
    %get3A_11 = arith.constant 0 : index
    %get3A_12 = arith.constant 0 : index
    %get3A_13 = vector.load %arg5[%get3A_11, %get3A_12] : memref<1x64xf32, #tpu.memory_space<vmem>>, vector<1x64xf32>
    %mul3A = vector.broadcast %get3A_10 : vector<4000x1xf32> to vector<4000x64xf32>
    %mul3A_14 = vector.broadcast %get3A_13 : vector<1x64xf32> to vector<4000x64xf32>
    %mul3A_15 = arith.mulf %mul3A, %mul3A_14 : vector<4000x64xf32>
    %get3A_16 = arith.constant 0 : index
    %get3A_17 = arith.constant 0 : index
    %get3A_18 = vector.load %arg6[%get3A_16, %get3A_17] : memref<1x64xf32, #tpu.memory_space<vmem>>, vector<1x64xf32>
    %add3A = vector.broadcast %get3A_18 : vector<1x64xf32> to vector<4000x64xf32>
    %add3A_19 = arith.addf %mul3A_15, %add3A : vector<4000x64xf32>
    %max3A = arith.constant 0.000000e+00 : f32
    %max3A_20 = vector.broadcast %max3A : f32 to vector<4000x64xf32>
    %max3A_21 = arith.maximumf %add3A_19, %max3A_20 : vector<4000x64xf32>
    %get3A_22 = arith.constant 0 : index
    %get3A_23 = arith.constant 0 : index
    %get3A_24 = vector.load %arg7[%get3A_22, %get3A_23] : memref<64x256xf32, #tpu.memory_space<vmem>>, vector<64x256xf32>
    %dot_general3A = arith.constant dense<0.000000e+00> : vector<4000x256xf32>
    %dot_general3A_25 = tpu.matmul %max3A_21, %get3A_24, %dot_general3A {dimension_numbers = #tpu.dot_dimension_numbers<[1], [0], [0], [1], [0, 0, 1, 1], [], []>, transpose_lhs_hint = false} : vector<4000x64xf32>, vector<64x256xf32>, vector<4000x256xf32> -> vector<4000x256xf32>
    %get3A_26 = arith.constant 0 : index
    %get3A_27 = arith.constant 0 : index
    %get3A_28 = vector.load %arg8[%get3A_26, %get3A_27] : memref<1x256xf32, #tpu.memory_space<vmem>>, vector<1x256xf32>
    %add3A_29 = vector.broadcast %get3A_28 : vector<1x256xf32> to vector<4000x256xf32>
    %add3A_30 = arith.addf %dot_general3A_25, %add3A_29 : vector<4000x256xf32>
    %get3A_31 = arith.constant 0 : index
    %get3A_32 = arith.constant 0 : index
    %get3A_33 = vector.load %arg9[%get3A_31, %get3A_32] : memref<128x256xf32, #tpu.memory_space<vmem>>, vector<128x256xf32>
    %dot_general3A_34 = arith.constant dense<0.000000e+00> : vector<4000x256xf32>
    %dot_general3A_35 = tpu.matmul %select_n3A, %get3A_33, %dot_general3A_34 {dimension_numbers = #tpu.dot_dimension_numbers<[1], [0], [0], [1], [0, 0, 1, 1], [], []>, transpose_lhs_hint = false} : vector<4000x128xf32>, vector<128x256xf32>, vector<4000x256xf32> -> vector<4000x256xf32>
    %mul3A_36 = arith.mulf %add3A_30, %dot_general3A_35 : vector<4000x256xf32>
    %get3A_37 = arith.constant 0 : index
    %get3A_38 = arith.constant 0 : index
    %get3A_39 = vector.load %arg10[%get3A_37, %get3A_38] : memref<256x16xf32, #tpu.memory_space<vmem>>, vector<256x16xf32>
    %dot_general3A_40 = arith.constant dense<0.000000e+00> : vector<4000x16xf32>
    %dot_general3A_41 = tpu.matmul %mul3A_36, %get3A_39, %dot_general3A_40 {dimension_numbers = #tpu.dot_dimension_numbers<[1], [0], [0], [1], [0, 0, 1, 1], [], []>, transpose_lhs_hint = false} : vector<4000x256xf32>, vector<256x16xf32>, vector<4000x16xf32> -> vector<4000x16xf32>
    %get3A_42 = arith.constant 0 : index
    %get3A_43 = arith.constant 0 : index
    %get3A_44 = vector.load %arg11[%get3A_42, %get3A_43] : memref<16x128xf32, #tpu.memory_space<vmem>>, vector<16x128xf32>
    %dot_general3A_45 = arith.constant dense<0.000000e+00> : vector<4000x128xf32>
    %dot_general3A_46 = tpu.matmul %dot_general3A_41, %get3A_44, %dot_general3A_45 {dimension_numbers = #tpu.dot_dimension_numbers<[1], [0], [0], [1], [0, 0, 1, 1], [], []>, transpose_lhs_hint = false} : vector<4000x16xf32>, vector<16x128xf32>, vector<4000x128xf32> -> vector<4000x128xf32>
    %get3A_47 = arith.constant 0 : index
    %get3A_48 = arith.constant 0 : index
    %get3A_49 = vector.load %arg4[%get3A_47, %get3A_48] : memref<4000x1xi32, #tpu.memory_space<vmem>>, vector<4000x1xi32>
    %eq3A_50 = vector.broadcast %get3A_49 : vector<4000x1xi32> to vector<4000x128xi32>
    %eq3A_51 = arith.cmpi eq, %shift_right_arithmetic3A_1, %eq3A_50 : vector<4000x128xi32>
    %jit3A_52 = arith.constant 0.000000e+00 : f32
    %broadcast_in_dim3A_53 = vector.broadcast %jit3A_52 : f32 to vector<4000x128xf32>
    %select_n3A_54 = arith.select %eq3A_51, %dot_general3A_46, %broadcast_in_dim3A_53 : vector<4000x128xi1>, vector<4000x128xf32>
    %swap3A = arith.constant 0 : index
    %swap3A_55 = arith.constant 0 : index
    %swap3A_56 = vector.load %arg12[%swap3A, %swap3A_55] : memref<4000x128xf32, #tpu.memory_space<vmem>>, vector<4000x128xf32>
    tpu.vector_store %arg12[%swap3A, %swap3A_55], %select_n3A_54 {strides = array<i32>} : memref<4000x128xf32, #tpu.memory_space<vmem>>, vector<4000x128xf32>,
    return
  }
  func.func @transform_0(%arg0: i32) -> (i32, i32) {
    %c0_i32 = arith.constant 0 : i32
    %c0_i32_0 = arith.constant 0 : i32
    return %arg0, %c0_i32 : i32, i32
  }
  func.func @transform_1(%arg0: i32) -> (i32, i32) {
    %c0_i32 = arith.constant 0 : i32
    %c0_i32_0 = arith.constant 0 : i32
    return %arg0, %c0_i32 : i32, i32
  }
  func.func @transform_2(%arg0: i32) -> (i32, i32) {
    %c0_i32 = arith.constant 0 : i32
    %c0_i32_0 = arith.constant 0 : i32
    return %arg0, %c0_i32 : i32, i32
  }
  func.func @transform_3(%arg0: i32) -> (i32, i32) {
    %c0_i32 = arith.constant 0 : i32
    %c0_i32_0 = arith.constant 0 : i32
    return %arg0, %c0_i32 : i32, i32
  }
  func.func @transform_4(%arg0: i32) -> (i32, i32) {
    %c0_i32 = arith.constant 0 : i32
    %c0_i32_0 = arith.constant 0 : i32
    %c0_i32_1 = arith.constant 0 : i32
    return %c0_i32, %c0_i32_0 : i32, i32
  }
  func.func @transform_5(%arg0: i32) -> (i32, i32) {
    %c0_i32 = arith.constant 0 : i32
    %c0_i32_0 = arith.constant 0 : i32
    %c0_i32_1 = arith.constant 0 : i32
    return %c0_i32, %c0_i32_0 : i32, i32
  }
  func.func @transform_6(%arg0: i32) -> (i32, i32) {
    %c0_i32 = arith.constant 0 : i32
    %c0_i32_0 = arith.constant 0 : i32
    %c0_i32_1 = arith.constant 0 : i32
    return %c0_i32, %c0_i32_0 : i32, i32
  }
  func.func @transform_7(%arg0: i32) -> (i32, i32) {
    %c0_i32 = arith.constant 0 : i32
    %c0_i32_0 = arith.constant 0 : i32
    %c0_i32_1 = arith.constant 0 : i32
    return %c0_i32, %c0_i32_0 : i32, i32
  }
  func.func @transform_8(%arg0: i32) -> (i32, i32) {
    %c0_i32 = arith.constant 0 : i32
    %c0_i32_0 = arith.constant 0 : i32
    %c0_i32_1 = arith.constant 0 : i32
    return %c0_i32, %c0_i32_0 : i32, i32
  }
  func.func @transform_9(%arg0: i32) -> (i32, i32) {
    %c0_i32 = arith.constant 0 : i32
    %c0_i32_0 = arith.constant 0 : i32
    %c0_i32_1 = arith.constant 0 : i32
    return %c0_i32, %c0_i32_0 : i32, i32
  }
  func.func @transform_10(%arg0: i32) -> (i32, i32) {
    %c0_i32 = arith.constant 0 : i32
    %c0_i32_0 = arith.constant 0 : i32
    %c0_i32_1 = arith.constant 0 : i32
    return %c0_i32, %c0_i32_0 : i32, i32
  }
  func.func @transform_11(%arg0: i32) -> (i32, i32) {
    %c0_i32 = arith.constant 0 : i32
    %c0_i32_0 = arith.constant 0 : i32
    return %arg0, %c0_i32 : i32, i32
  }
}

</mosaic_0001>

<sc_bundles>
// kernel: kernel.5.cloned.1.call-start
scs
__scs_entry_jumppad:
0x0: {  	(pc) =	sbr.rel $0x88, $3  }
0x1: {  	(tag) =	ssettag $0x0;
	lr =	simm.s32 $0x1  }
0x2: {  	[smem:$0x3F9A] =	sst lr;
	_ =	strace $0xD0000000  }
0x3: {  	_ = 	snop  }
0x4: {  	_ = 	snop  }
0x5: {  	_ = 	snop  }
0x6: {  	_ = 	snop  }
0x7: {  	_ = 	snop  }
__scs_overlays_trampoline_lowered:
0x8: {  	[smem:$0x3FA9] =	sst s0  }
0x9: {  	[smem:$0x3FAA] =	sst s1  }
0xa: {  	[smem:$0x3FAB] =	sst s2  }
0xb: {  	[smem:$0x3FAC] =	sst s3  }
0xc: {  	[smem:$0x3FAD] =	sst s4  }
0xd: {  	[smem:$0x3FAE] =	sst s5  }
0xe: {  	[smem:$0x3FAF] =	sst s6  }
0xf: {  	[smem:$0x3FB0] =	sst s7  }
0x10: {  	[smem:$0x3FB1] =	sst s8  }
0x11: {  	[smem:$0x3FB2] =	sst s9;
	s0 =	simm.s32 @!p0 $0x0  }
0x12: {  	s1 =	sld [smem:$0x3F98];
	s0 =	simm.s32 @p0 $0x1  }
0x13: {  	[smem:$0x3FB3] =	sst s0;
	s0 =	simm.s32 @!p1 $0x0  }
0x14: {  	s2 =	sld [smem:$0x3F97];
	s0 =	simm.s32 @p1 $0x1  }
0x15: {  	[smem:$0x3FB4] =	sst s0;
	s0 =	simm.s32 @!p2 $0x0  }
0x16: {  	s3 =	sld [smem:$0x3FDB];
	s0 =	simm.s32 @p2 $0x1  }
0x17: {  	s4 =	simm.s32 $0x1BF5;
	[smem:$0x3FB6] =	sst s0  }
0x18: {  	s0 =	sld [smem:$0x3F99];
	_ =	swait.ge [sflag:s4], $0x0  }
0x19: {  	s7 =	sld [smem:$0x3F9A]  }
0x1a: {  	s8 =	sadd.s32 $0xFFFFE003, lr  }
0x1b: {  	s9 =	sadd.s32 $0xFFFFFEF7, lr;
	s5 =	simm.s32 $0xFFFFFFFF;
	p2 =	slt.u32 s8, $0xFFFFF086  }
0x1c: {  	p1 =	slt.u32 s9, $0xF7A;
	s5 =	simm.s32 @!p2 $0x0  }
0x1d: {  	s5 =	simm.s32 @p1 $0x1;
	p0 =	seq.s32 s7, s2  }
0x1e: {  	s7 =	smul.u32 @!p0 $0xF7A, s2;
	p2 =	seq.s32 @!p0 s5, $0x0  }
0x1f: {  	s9 =	smul.u32 $0xF7A, s1;
	s8 =	simm.s32 @!p0 $0x1BF5;
	p2 =	por !p2, p0  }
0x20: {  	[sflag:s8] =	ssyncset.s32 @!p0 $0xFFFFF086;
	s6 =	sadd.s32 @!p0 s3, s7;
	s7 =	simm.s32 @!p0 $0x108  }
0x21: {  	s3 =	sadd.s32 s3, s9;
	s6 =	sadd.s32 @!p0 $0x88, s6;
	s7 =	simm.s32 @p2 $0x1082  }
0x22: {  	[simem:s7], [sflag:s8] =	dma.local @!p0 [hbm:s6], $0xF7A  }
0x23: {  	s9 =	sor.u32 $0xD0000000, s2;
	s6 =	simm.s32 $0x108;
	_ =	swait.ge @!p0 [sflag:s8], $0x0  }
0x24: {  	s3 =	sadd.s32 $0x88, s3;
	s6 =	simm.s32 @!p1 $0x1082;
	[sflag:s4] =	ssyncset.s32 $0xFFFFF086  }
0x25: {  	[simem:s6], [sflag:s4] =	dma.local [hbm:s3], $0xF7A  }
0x26: {  	[smem:$0x3F9A] =	sst s1;
	(tag) =	ssettag s2;
	_ =	strace s9  }
0x27: {  	s1 =	sld [smem:$0x3FAA]  }
0x28: {  	s2 =	sld [smem:$0x3FAB]  }
0x29: {  	s4 =	sld [smem:$0x3FAD]  }
0x2a: {  	p0 =	seq.s32 s5, $0x0;
	s5 =	sld [smem:$0x3FAE]  }
0x2b: {  	s6 =	sld [smem:$0x3FAF]  }
0x2c: {  	s7 =	sld [smem:$0x3FB0]  }
0x2d: {  	s3 =	simm.s32 $0x108;
	s8 =	sld [smem:$0x3FB1]  }
0x2e: {  	s3 =	simm.s32 @!p0 $0x1082;
	s9 =	sld [smem:$0x3FB2]  }
0x2f: {  	lr =	sadd.s32 s0, s3;
	s0 =	sld [smem:$0x3FA9]  }
0x30: {  	s3 =	sld [smem:$0x3FAC]  }
0x31: {  	[smem:$0x3FB5] =	sst s10  }
0x32: {  	s10 =	sld [smem:$0x3FB3];
	_ =	sdelay $0x3  }
0x33: {  	p0 =	seq.s32 s10, $0x1;
	s10 =	sld [smem:$0x3FB5];
	_ =	sdelay $0x3  }
0x34: {  	[smem:$0x3FB5] =	sst s10  }
0x35: {  	s10 =	sld [smem:$0x3FB4];
	_ =	sdelay $0x3  }
0x36: {  	p1 =	seq.s32 s10, $0x1;
	s10 =	sld [smem:$0x3FB5];
	_ =	sdelay $0x3  }
0x37: {  	[smem:$0x3FB5] =	sst s10  }
0x38: {  	s10 =	sld [smem:$0x3FB6]  }
0x39: {  	_ = 	snop;
	(pc) =	sbr.ind lr, $3  }
0x3a: {  	_ = 	snop  }
0x3b: {  	_ = 	snop  }
0x3c: {  	p2 =	seq.s32 s10, $0x1;
	s10 =	sld [smem:$0x3FB5]  }
0x3d: {  	_ =	shalt  }
0x3e: {  	_ =	shalt  }
0x3f: {  	_ =	shalt  }
0x40: {  	_ =	shalt  }
0x41: {  	_ =	shalt  }
0x42: {  	_ =	shalt  }
0x43: {  	_ =	shalt  }
0x44: {  	_ =	shalt  }
0x45: {  	_ =	shalt  }
0x46: {  	_ =	shalt  }
0x47: {  	_ =	shalt  }
0x48: {  	_ =	shalt  }
0x49: {  	_ =	shalt  }
0x4a: {  	_ =	shalt  }
0x4b: {  	_ =	shalt  }
0x4c: {  	_ =	shalt  }
0x4d: {  	_ =	shalt  }
0x4e: {  	_ =	shalt  }
0x4f: {  	_ =	shalt  }
0x50: {  	_ =	shalt  }
0x51: {  	_ =	shalt  }
0x52: {  	_ =	shalt  }
0x53: {  	_ =	shalt  }
0x54: {  	_ =	shalt  }
0x55: {  	_ =	shalt  }
0x56: {  	_ =	shalt  }
0x57: {  	_ =	shalt  }
0x58: {  	_ =	shalt  }
0x59: {  	_ =	shalt  }
0x5a: {  	_ =	shalt  }
0x5b: {  	_ =	shalt  }
0x5c: {  	_ =	shalt  }
0x5d: {  	_ =	shalt  }
0x5e: {  	_ =	shalt  }
0x5f: {  	_ =	shalt  }
0x60: {  	_ =	shalt  }
0x61: {  	_ =	shalt  }
0x62: {  	_ =	shalt  }
0x63: {  	_ =	shalt  }
0x64: {  	_ =	shalt  }
0x65: {  	_ =	shalt  }
0x66: {  	_ =	shalt  }
0x67: {  	_ =	shalt  }
0x68: {  	_ =	shalt  }
0x69: {  	_ =	shalt  }
0x6a: {  	_ =	shalt  }
0x6b: {  	_ =	shalt  }
0x6c: {  	_ =	shalt  }
0x6d: {  	_ =	shalt  }
0x6e: {  	_ =	shalt  }
0x6f: {  	_ =	shalt  }
0x70: {  	_ =	shalt  }
0x71: {  	_ =	shalt  }
0x72: {  	_ =	shalt  }
0x73: {  	_ =	shalt  }
0x74: {  	_ =	shalt  }
0x75: {  	_ =	shalt  }
0x76: {  	_ =	shalt  }
0x77: {  	_ =	shalt  }
0x78: {  	_ =	shalt  }
0x79: {  	_ =	shalt  }
0x7a: {  	_ =	shalt  }
0x7b: {  	_ =	shalt  }
0x7c: {  	_ =	shalt  }
0x7d: {  	_ =	shalt  }
0x7e: {  	_ =	shalt  }
0x7f: {  	_ =	shalt  }
0x80: {  	_ =	shalt  }
0x81: {  	_ =	shalt  }
0x82: {  	_ =	shalt  }
0x83: {  	_ =	shalt  }
0x84: {  	_ =	shalt  }
0x85: {  	_ =	shalt  }
0x86: {  	_ =	shalt  }
0x87: {  	_ =	shalt  }
.Lfunc_end0:
.L_simem_size_0:
called_computation_lowered:
.L_overlay_start_0:
0x88: {  	s2 =	sld [smem:$0x3FD9]  }
0x89: {  	s3 =	sld [smem:$0x3FFE];
	_ =	sdelay $0x1  }
0x8a: {  	s1 =	srdreg.scid  }
0x8b: {  	s0 =	sand.u32 $0x1, s1  }
0x8c: {  	s16 =	sshll.u32 s0, $0xA;
	s2 =	sadd.s32 s3, s2  }
0x8d: {  	s2 =	sadd.s32 s2, s16  }
0x8e: {  	[smem:$0x3FC1] =	sst s2  }
0x8f: {  	_ = 	snop  }
0x90: {  	(tm) =	ssettm $0x1  }
0x91: {  	s17 =	sld [smem:$0x3FFB];
	_ =	sdelay $0x3  }
0x92: {  	_ =	strace s17  }
0x93: {  	s2 =	sld [smem:$0x3FFC];
	_ =	sdelay $0x3  }
0x94: {  	_ =	strace s2  }
0x95: {  	s2 =	sld [smem:$0x3FFD];
	_ =	sdelay $0x3  }
0x96: {  	_ =	strace s2  }
0x97: {  	_ =	strace $0x8FFFFFFF  }
0x98: {  	s18 =	sld [smem:$0x3FDB];
	_ =	sdelay $0x1  }
0x99: {  	s19 =	simm.s32 $_scs_section_size  }
0x9a: {  	s4 =	simm.s32 $_size__tile_overlayer_lowered;
	s5 =	simm.s32 $_tile_overlayer_lowered  }
0x9b: {  	s22 =	simm.s32 $0x1BFF;
	s21 =	sshll.u32 s5, $0x1;
	s2 =	sadd.s32 s19, s18  }
0x9c: {  	s6 =	simm.s32 $0x0;
	s20 =	sshll.u32 s4, $0x1;
	s4 =	sadd.s32 s21, s2  }
0x9d: {  	[timem:s6], [sflag:s22] =	dma.local [hbm:s4], s20  }
0x9e: {  	_ =	swait.ge [sflag:s22], s20  }
0x9f: {  	s3 =	ssub.s32 $0x0, s20;
	[sflag:s22] =	ssyncset.done $0x0  }
0xa0: {  	[sflag:s22] =	ssyncadd.s32 s3;
	_ =	sdelay $0x1  }
0xa1: {  	s23 =	simm.s32 $0x1B8B  }
0xa2: {  	_ =	swait.ge [sflag:s23], $0x1  }
0xa3: {  	[sflag:s23] =	ssyncset.done $0x0  }
0xa4: {  	s25 =	simm.s32 $0x1B8E;
	s24 =	sld [smem:$0x3FFE];
	[sflag:s23] =	ssyncadd.s32 $0xFFFFFFFF  }
0xa5: {  	s26 =	simm.s32 $execute0_lowered;
	[smem:$0x3FD2] =	sst s25  }
0xa6: {  	s4 =	sshll.u32 s26, $0x1;
	_ =	strace $0x80000046;
	[dreg:$0x1] =	wrdreg $0xFFFFFFFF  }
0xa7: {  	s28 =	simm.s32 $_size_execute0_lowered;
	s2 =	sadd.s32 s2, s4;
	[dreg:$0x0] =	wrdreg $0x0  }
0xa8: {  	s4 =	sshll.u32 s28, $0x1;
	[dreg:$0x2] =	wrdreg s2  }
0xa9: {  	[dreg:$0x3] =	wrdreg s4  }
0xaa: {  	[dreg:$0x4] =	wrdreg $0xC0  }
0xab: {  	_ =	task [dreg:s6], $0x5FFFF  }
0xac: {  	[dreg:$0x1] =	wrdreg $0xFFFFFFFF  }
0xad: {  	[dreg:$0x0] =	wrdreg $0x60  }
0xae: {  	[dreg:$0x2] =	wrdreg s24  }
0xaf: {  	[dreg:$0x3] =	wrdreg $0x0  }
0xb0: {  	[dreg:$0x4] =	wrdreg $0x9  }
0xb1: {  	_ =	task.clear_ibuf [dreg:s6], $0x5FFFF;
	_ =	strace $0x90000046  }
0xb2: {  	s29 =	simm.s32 $0x9;
	_ =	strace $0x80000048  }
0xb3: {  	_ =	swait.ge [sflag:s29], $0x1  }
0xb4: {  	[sflag:s29] =	ssyncadd.s32 $0xFFFFFFFF  }
0xb5: {  	_ =	strace $0x90000048  }
0xb6: {  	_ =	sfence  }
0xb7: {  	s30 =	sld [smem:$0x0];
	_ =	sdelay $0x2  }
0xb8: {  	s31 =	sshll.u32 s1, $0xD;
	s1 =	sshrl.u32 s1, $0x2  }
0xb9: {  	s3 =	sand.u32 $0x4000, s31;
	s1 =	sadd.s32 s1, s30  }
0xba: {  	s0 =	sor.u32 s3, s0;
	s1 =	sshll.u32 s1, $0x11  }
0xbb: {  	s0 =	sor.u32 s1, s0  }
0xbc: {  	s0 =	sadd.s32 $0x8F2B, s0  }
0xbd: {  	[sflag:s0] =	ssyncadd.remote.s32 $0x1  }
0xbe: {  	_ =	sfence.sel $0xFFFF  }
0xbf: {  	[dreg:$0x0] =	wrdreg $0xFFFFFFFF;
	(pc) =	sbr.abs _section_cstart, $3  }
0xc0: {  	[dreg:$0x1] =	wrdreg $0xFFFFFFFF  }
0xc1: {  	_ =	task.clear_ibuf [dreg:s6], $0x2FFFF;
	_ =	strace $0x9FFFFFFF  }
0xc2: {  	(tm) =	ssettm $0x7FFFFFFF  }
0xc3: {  	_ =	shalt  }
tec
execute0_lowered:
.L_overlay_start_1:
0x0: {  	(tag) =	ssettag $0x1  }
0x1: {  	s4 =	rddreg [dreg:$0x0]  }
0x2: {  	s2 =	rddreg [dreg:$0x1];
	s1 =	stileid.u32  }
0x3: {  	s3 =	srdreg.scid;
	s0 =	rddreg [dreg:$0x2]  }
0x4: {  	s15 =	simm.s32 $0x2880;
	s16 =	simm.s32 $0x7600;
	s17 =	simm.s32 $0x1  }
0x5: {  	s18 =	simm.s32 $0x2;
	s19 =	simm.s32 $0x0;
	s6 =	smul.u32 $0x500, s1  }
0x6: {  	s7 =	sand.u32 $0x1, s3;
	s5 =	sshll.u32 s1, $0x1;
	s9 =	smul.u32 $0xA000, s1  }
0x7: {  	s3 =	simm.s32 $0x0;
	s11 =	sadd.s32 $0xD000, s4;
	s13 =	smul.u32 $0x27100, s1  }
0x8: {  	s29 =	sshll.u32 s1, $0x6;
	s5 =	sor.u32 s7, s5;
	s14 =	smul.u32 $0x13880, s7  }
0x9: {  	[smem:$0x7FF] =	sst s3;
	s10 =	ssub.s32 $0x2, s7;
	s8 =	smul.u32 $0x380, s5  }
0xa: {  	_ =	strace $0x80000047;
	s6 =	sadd.s32 s6, s4;
	s26 =	sshrl.u32 s10, $0x1  }
0xb: {  	s9 =	sshrl.u32 s9, $0x2;
	s28 =	smul.u32 $0x13880, s5;
	s5 =	sor.u32 $0x1C03, s29  }
0xc: {  	s31 =	sadd.s32 s13, s11;
	s13 =	simm.s32 $0x64;
	s10 =	ssub.s32 s10, s26  }
0xd: {  	s12 =	sadd.s32 s9, s2;
	s9 =	sadd.s32 s14, s31;
	s14 =	simm.s32 $0x4400  }
0xe: {  	s8 =	sadd.s32 s8, s4;
	s4 =	sadd.s32 $0x8000, s6;
	s30 =	sadd.s32 s11, s28  }
0xf: {  	s7 =	smax.u32 s10, $0x1;
	s10 =	sshrl.u32 s12, $0x3;
	s11 =	simm.s32 $0x3  }
0x10: {  	s12 =	simm.s32 $0x2800;
	s6 =	sadd.s32 $0x1000, s8;
	s8 =	sadd.s32 $0x12C00, s30  }
.LBB2_1:
0x11: {  	[spmem:s10], [sflag:s5] =	dma.local [hbm:s4], $0x500  }
0x12: {  	_ =	swait.ge [sflag:s11], $0x500  }
0x13: {  	[sflag:s11] =	ssyncset.done $0x0  }
0x14: {  	[sflag:s11] =	ssyncadd.s32 $0xFFFFFB00  }
0x15: {  	[tilespmem:s12], [sflag:$0x3] =	stream.linear.gather [hbm4b:s6+s3], $0x1900, $0x38;
	[tilespmem:$0x10C00] =	vst v63  }
0x16: {  	_ =	swait.ge [sflag:s11], $0x1900  }
0x17: {  	[sflag:s11] =	ssyncset.done $0x0  }
0x18: {  	[sflag:s11] =	ssyncadd.s32 $0xFFFFE700  }
0x19: {  	[bflag:$0x0] =	sbarrier.arrive $0xFFFF  }
0x1a: {  	[tilespmem:s14], [sflag:$0x1] =	stream.indirect.gather [spmem:s2], $0x80, s12, s13, $0xb8;
	[tilespmem:$0x10C00] =	vst v63  }
0x1b: {  	_ = 	snop  }
0x1c: {  	[tilespmem:s16], [sflag:$0x1] =	stream.indirect.gather [spmem:s2], $0x80, s15, s13, $0xb8;
	[tilespmem:$0x10C00] =	vst v63  }
0x1d: {  	s20 =	sand.u32 $0x1, s3;
	_ =	swait.ge [sflag:s17], $0x3200  }
0x1e: {  	s21 =	sxor.u32 $0x1, s20;
	[sflag:s17] =	ssyncset.done $0x0  }
0x1f: {  	s21 =	smul.u32 $0x19000, s21;
	[sflag:s17] =	ssyncadd.s32 $0xFFFFCE00  }
0x20: {  	_ =	swait.ge [sflag:s17], $0x3200  }
0x21: {  	s23 =	simm.s32 $0x2900;
	s21 =	sshrl.u32 s21, $0x2;
	[sflag:s17] =	ssyncset.done $0x0  }
0x22: {  	s22 =	smul.u32 $0x19000, s20;
	s30 =	sadd.s32 $0x4400, s21;
	[sflag:s17] =	ssyncadd.s32 $0xFFFFCE00  }
0x23: {  	[tilespmem:s30], [sflag:$0x1] =	stream.indirect.gather [spmem:s2], $0x80, s23, s13, $0xb8;
	[tilespmem:$0x10C00] =	vst v63  }
0x24: {  	s20 =	simm.s32 $0x2980;
	s22 =	sshrl.u32 s22, $0x2;
	s21 =	sadd.s32 $0x7600, s21  }
0x25: {  	[tilespmem:s21], [sflag:$0x1] =	stream.indirect.gather [spmem:s2], $0x80, s20, s13, $0xb8;
	[tilespmem:$0x10C00] =	vst v63  }
0x26: {  	s31 =	sadd.s32 $0x4400, s22  }
0x27: {  	[hbm4b:s9+s3] =	stream.linear.scatter [tilespmem:s31], [sflag:$0x2], $0x6400, $0x38;
	[tilespmem:$0x10C00] =	vst v63  }
0x28: {  	_ =	swait.ge [sflag:s18], $0x6400  }
0x29: {  	s22 =	smov.u32 s9;
	s21 =	simm.s32 $0x1;
	[sflag:s18] =	ssyncset.done $0x0  }
.LBB2_2:
0x2a: {  	[sflag:s18] =	ssyncadd.s32 $0xFFFF9C00;
	s20 =	sadd.s32 $0x100, s20;
	s22 =	sadd.s32 $0xC80, s22  }
0x2b: {  	p0 =	sne.s32 s21, $0x17;
	s23 =	smov.u32 s21;
	s21 =	sadd.s32 $0x1, s21  }
0x2c: {  	s23 =	sand.u32 $0x1, s23;
	_ =	swait.ge [sflag:s17], $0x3200  }
0x2d: {  	s24 =	smul.u32 $0x19000, s23;
	s23 =	sxor.u32 $0x1, s23;
	[sflag:s17] =	ssyncset.done $0x0  }
0x2e: {  	s23 =	smul.u32 $0x19000, s23;
	[sflag:s17] =	ssyncadd.s32 $0xFFFFCE00  }
0x2f: {  	s24 =	sshrl.u32 s24, $0x2;
	_ =	swait.ge [sflag:s17], $0x3200  }
0x30: {  	s23 =	sshrl.u32 s23, $0x2;
	[sflag:s17] =	ssyncset.done $0x0  }
0x31: {  	s26 =	sadd.s32 $0xFFFFFF80, s20;
	s25 =	sadd.s32 $0x4400, s23;
	[sflag:s17] =	ssyncadd.s32 $0xFFFFCE00  }
0x32: {  	[tilespmem:s25], [sflag:$0x1] =	stream.indirect.gather [spmem:s2], $0x80, s26, s13, $0xb8;
	[tilespmem:$0x10C00] =	vst v63  }
0x33: {  	s23 =	sadd.s32 $0x7600, s23  }
0x34: {  	[tilespmem:s23], [sflag:$0x1] =	stream.indirect.gather [spmem:s2], $0x80, s20, s13, $0xb8;
	[tilespmem:$0x10C00] =	vst v63  }
.Ltmp0:
0x35: {  	_ = 	snop;
	(pc) =	sbr.rel @p0 .LBB2_2-.Ltmp0, $4  }
0x36: {  	s23 =	sadd.s32 $0x4400, s24  }
0x37: {  	[hbm4b:s22+s3] =	stream.linear.scatter [tilespmem:s23], [sflag:$0x2], $0x6400, $0x38;
	[tilespmem:$0x10C00] =	vst v63  }
0x38: {  	_ =	swait.ge [sflag:s18], $0x6400  }
0x39: {  	[sflag:s18] =	ssyncset.done $0x0  }
0x3a: {  	[sflag:s18] =	ssyncadd.s32 $0xFFFF9C00  }
0x3b: {  	_ =	swait.ge [sflag:s17], $0x3200  }
0x3c: {  	[sflag:s17] =	ssyncset.done $0x0  }
0x3d: {  	[sflag:s17] =	ssyncadd.s32 $0xFFFFCE00  }
0x3e: {  	s19 =	sadd.s32 $0x1, s19;
	_ =	swait.ge [sflag:s17], $0x3200  }
0x3f: {  	p0 =	sne.s32 s19, s7;
	[sflag:s17] =	ssyncset.done $0x0  }
.Ltmp1:
0x40: {  	[sflag:s17] =	ssyncadd.s32 $0xFFFFCE00;
	(pc) =	sbr.rel @p0 .LBB2_1-.Ltmp1, $4  }
0x41: {  	[hbm4b:s8+s3] =	stream.linear.scatter [tilespmem:s14], [sflag:$0x2], $0x6400, $0x38;
	[tilespmem:$0x10C00] =	vst v63  }
0x42: {  	_ =	swait.ge [sflag:s18], $0x6400  }
0x43: {  	[sflag:s18] =	ssyncset.done $0x0  }
0x44: {  	[sflag:s18] =	ssyncadd.s32 $0xFFFF9C00  }
0x45: {  	_ =	sfence.sel $0x180000  }
0x46: {  	[bflag:$0x0] =	sbarrier.arrive $0xFFFF  }
0x47: {  	p0 =	sne.s32 s1, $0x0;
	_ =	strace $0x90000047  }
0x48: {  	s0 =	sadd.s32 @!p0 $0x100000, s0;
	[bflag:$0x2] =	sbarrier.arrive $0xFFFF  }
0x49: {  	[sflag:s0] =	ssyncadd.tile.s32 @!p0 $0x1;
	_ =	shalt  }
.Lfunc_end2:
_tile_overlayer_lowered:
.L_overlay_start_2:
0x4a: {  	(tag) =	ssettag $0x2  }
0x4b: {  	s0 =	rddreg [dreg:$0x0];
	s2 =	stileid.u32  }
0x4c: {  	s1 =	rddreg [dreg:$0x1];
	p0 =	sne.s32 s2, $0x0  }
0x4d: {  	s3 =	rddreg [dreg:$0x2];
	[bflag:$0x3] =	sbarrier.arrive $0xFFFF;
	s2 =	simm.s32 @!p0 $0x1C03  }
0x4e: {  	[timem:s3], [sflag:s2] =	dma.local @!p0 [hbm:s0], s1  }
0x4f: {  	s0 =	simm.s32 @!p0 $0x3  }
0x50: {  	_ =	swait.ge @!p0 [sflag:s0], s1  }
0x51: {  	s1 =	ssub.s32 @!p0 $0x0, s1;
	[sflag:s0] =	ssyncset.done @!p0 $0x0  }
0x52: {  	[sflag:s0] =	ssyncadd.s32 @!p0 s1  }
0x53: {  	[bflag:$0x3] =	sbarrier.arrive $0xFFFF  }
0x54: {  	_ =	shalt  }

// kernel: kernel.8.cloned.1.call-start
scs
__scs_entry_jumppad:
0x0: {  	(pc) =	sbr.rel $0x88, $3  }
0x1: {  	(tag) =	ssettag $0x0;
	lr =	simm.s32 $0x1  }
0x2: {  	[smem:$0x3F9A] =	sst lr;
	_ =	strace $0xD0000000  }
0x3: {  	_ = 	snop  }
0x4: {  	_ = 	snop  }
0x5: {  	_ = 	snop  }
0x6: {  	_ = 	snop  }
0x7: {  	_ = 	snop  }
__scs_overlays_trampoline_lowered:
0x8: {  	[smem:$0x3FA9] =	sst s0  }
0x9: {  	[smem:$0x3FAA] =	sst s1  }
0xa: {  	[smem:$0x3FAB] =	sst s2  }
0xb: {  	[smem:$0x3FAC] =	sst s3  }
0xc: {  	[smem:$0x3FAD] =	sst s4  }
0xd: {  	[smem:$0x3FAE] =	sst s5  }
0xe: {  	[smem:$0x3FAF] =	sst s6  }
0xf: {  	[smem:$0x3FB0] =	sst s7  }
0x10: {  	[smem:$0x3FB1] =	sst s8  }
0x11: {  	[smem:$0x3FB2] =	sst s9;
	s0 =	simm.s32 @!p0 $0x0  }
0x12: {  	s1 =	sld [smem:$0x3F98];
	s0 =	simm.s32 @p0 $0x1  }
0x13: {  	[smem:$0x3FB3] =	sst s0;
	s0 =	simm.s32 @!p1 $0x0  }
0x14: {  	s2 =	sld [smem:$0x3F97];
	s0 =	simm.s32 @p1 $0x1  }
0x15: {  	[smem:$0x3FB4] =	sst s0;
	s0 =	simm.s32 @!p2 $0x0  }
0x16: {  	s3 =	sld [smem:$0x3FDB];
	s0 =	simm.s32 @p2 $0x1  }
0x17: {  	s4 =	simm.s32 $0x1BF5;
	[smem:$0x3FB6] =	sst s0  }
0x18: {  	s0 =	sld [smem:$0x3F99];
	_ =	swait.ge [sflag:s4], $0x0  }
0x19: {  	s7 =	sld [smem:$0x3F9A]  }
0x1a: {  	s8 =	sadd.s32 $0xFFFFE003, lr  }
0x1b: {  	s9 =	sadd.s32 $0xFFFFFEF7, lr;
	s5 =	simm.s32 $0xFFFFFFFF;
	p2 =	slt.u32 s8, $0xFFFFF086  }
0x1c: {  	p1 =	slt.u32 s9, $0xF7A;
	s5 =	simm.s32 @!p2 $0x0  }
0x1d: {  	s5 =	simm.s32 @p1 $0x1;
	p0 =	seq.s32 s7, s2  }
0x1e: {  	s7 =	smul.u32 @!p0 $0xF7A, s2;
	p2 =	seq.s32 @!p0 s5, $0x0  }
0x1f: {  	s9 =	smul.u32 $0xF7A, s1;
	s8 =	simm.s32 @!p0 $0x1BF5;
	p2 =	por !p2, p0  }
0x20: {  	[sflag:s8] =	ssyncset.s32 @!p0 $0xFFFFF086;
	s6 =	sadd.s32 @!p0 s3, s7;
	s7 =	simm.s32 @!p0 $0x108  }
0x21: {  	s3 =	sadd.s32 s3, s9;
	s6 =	sadd.s32 @!p0 $0x88, s6;
	s7 =	simm.s32 @p2 $0x1082  }
0x22: {  	[simem:s7], [sflag:s8] =	dma.local @!p0 [hbm:s6], $0xF7A  }
0x23: {  	s9 =	sor.u32 $0xD0000000, s2;
	s6 =	simm.s32 $0x108;
	_ =	swait.ge @!p0 [sflag:s8], $0x0  }
0x24: {  	s3 =	sadd.s32 $0x88, s3;
	s6 =	simm.s32 @!p1 $0x1082;
	[sflag:s4] =	ssyncset.s32 $0xFFFFF086  }
0x25: {  	[simem:s6], [sflag:s4] =	dma.local [hbm:s3], $0xF7A  }
0x26: {  	[smem:$0x3F9A] =	sst s1;
	(tag) =	ssettag s2;
	_ =	strace s9  }
0x27: {  	s1 =	sld [smem:$0x3FAA]  }
0x28: {  	s2 =	sld [smem:$0x3FAB]  }
0x29: {  	s4 =	sld [smem:$0x3FAD]  }
0x2a: {  	p0 =	seq.s32 s5, $0x0;
	s5 =	sld [smem:$0x3FAE]  }
0x2b: {  	s6 =	sld [smem:$0x3FAF]  }
0x2c: {  	s7 =	sld [smem:$0x3FB0]  }
0x2d: {  	s3 =	simm.s32 $0x108;
	s8 =	sld [smem:$0x3FB1]  }
0x2e: {  	s3 =	simm.s32 @!p0 $0x1082;
	s9 =	sld [smem:$0x3FB2]  }
0x2f: {  	lr =	sadd.s32 s0, s3;
	s0 =	sld [smem:$0x3FA9]  }
0x30: {  	s3 =	sld [smem:$0x3FAC]  }
0x31: {  	[smem:$0x3FB5] =	sst s10  }
0x32: {  	s10 =	sld [smem:$0x3FB3];
	_ =	sdelay $0x3  }
0x33: {  	p0 =	seq.s32 s10, $0x1;
	s10 =	sld [smem:$0x3FB5];
	_ =	sdelay $0x3  }
0x34: {  	[smem:$0x3FB5] =	sst s10  }
0x35: {  	s10 =	sld [smem:$0x3FB4];
	_ =	sdelay $0x3  }
0x36: {  	p1 =	seq.s32 s10, $0x1;
	s10 =	sld [smem:$0x3FB5];
	_ =	sdelay $0x3  }
0x37: {  	[smem:$0x3FB5] =	sst s10  }
0x38: {  	s10 =	sld [smem:$0x3FB6]  }
0x39: {  	_ = 	snop;
	(pc) =	sbr.ind lr, $3  }
0x3a: {  	_ = 	snop  }
0x3b: {  	_ = 	snop  }
0x3c: {  	p2 =	seq.s32 s10, $0x1;
	s10 =	sld [smem:$0x3FB5]  }
0x3d: {  	_ =	shalt  }
0x3e: {  	_ =	shalt  }
0x3f: {  	_ =	shalt  }
0x40: {  	_ =	shalt  }
0x41: {  	_ =	shalt  }
0x42: {  	_ =	shalt  }
0x43: {  	_ =	shalt  }
0x44: {  	_ =	shalt  }
0x45: {  	_ =	shalt  }
0x46: {  	_ =	shalt  }
0x47: {  	_ =	shalt  }
0x48: {  	_ =	shalt  }
0x49: {  	_ =	shalt  }
0x4a: {  	_ =	shalt  }
0x4b: {  	_ =	shalt  }
0x4c: {  	_ =	shalt  }
0x4d: {  	_ =	shalt  }
0x4e: {  	_ =	shalt  }
0x4f: {  	_ =	shalt  }
0x50: {  	_ =	shalt  }
0x51: {  	_ =	shalt  }
0x52: {  	_ =	shalt  }
0x53: {  	_ =	shalt  }
0x54: {  	_ =	shalt  }
0x55: {  	_ =	shalt  }
0x56: {  	_ =	shalt  }
0x57: {  	_ =	shalt  }
0x58: {  	_ =	shalt  }
0x59: {  	_ =	shalt  }
0x5a: {  	_ =	shalt  }
0x5b: {  	_ =	shalt  }
0x5c: {  	_ =	shalt  }
0x5d: {  	_ =	shalt  }
0x5e: {  	_ =	shalt  }
0x5f: {  	_ =	shalt  }
0x60: {  	_ =	shalt  }
0x61: {  	_ =	shalt  }
0x62: {  	_ =	shalt  }
0x63: {  	_ =	shalt  }
0x64: {  	_ =	shalt  }
0x65: {  	_ =	shalt  }
0x66: {  	_ =	shalt  }
0x67: {  	_ =	shalt  }
0x68: {  	_ =	shalt  }
0x69: {  	_ =	shalt  }
0x6a: {  	_ =	shalt  }
0x6b: {  	_ =	shalt  }
0x6c: {  	_ =	shalt  }
0x6d: {  	_ =	shalt  }
0x6e: {  	_ =	shalt  }
0x6f: {  	_ =	shalt  }
0x70: {  	_ =	shalt  }
0x71: {  	_ =	shalt  }
0x72: {  	_ =	shalt  }
0x73: {  	_ =	shalt  }
0x74: {  	_ =	shalt  }
0x75: {  	_ =	shalt  }
0x76: {  	_ =	shalt  }
0x77: {  	_ =	shalt  }
0x78: {  	_ =	shalt  }
0x79: {  	_ =	shalt  }
0x7a: {  	_ =	shalt  }
0x7b: {  	_ =	shalt  }
0x7c: {  	_ =	shalt  }
0x7d: {  	_ =	shalt  }
0x7e: {  	_ =	shalt  }
0x7f: {  	_ =	shalt  }
0x80: {  	_ =	shalt  }
0x81: {  	_ =	shalt  }
0x82: {  	_ =	shalt  }
0x83: {  	_ =	shalt  }
0x84: {  	_ =	shalt  }
0x85: {  	_ =	shalt  }
0x86: {  	_ =	shalt  }
0x87: {  	_ =	shalt  }
.Lfunc_end0:
.L_simem_size_0:
called_computation.1_lowered:
.L_overlay_start_0:
0x88: {  	s2 =	sld [smem:$0x3FD9]  }
0x89: {  	s3 =	sld [smem:$0x3FFE];
	_ =	sdelay $0x1  }
0x8a: {  	s1 =	srdreg.scid  }
0x8b: {  	s0 =	sand.u32 $0x1, s1  }
0x8c: {  	s16 =	sshll.u32 s0, $0xA;
	s2 =	sadd.s32 s3, s2  }
0x8d: {  	s2 =	sadd.s32 s2, s16  }
0x8e: {  	[smem:$0x3FC1] =	sst s2  }
0x8f: {  	_ = 	snop  }
0x90: {  	(tm) =	ssettm $0x1  }
0x91: {  	s17 =	sld [smem:$0x3FFB];
	_ =	sdelay $0x3  }
0x92: {  	_ =	strace s17  }
0x93: {  	s2 =	sld [smem:$0x3FFC];
	_ =	sdelay $0x3  }
0x94: {  	_ =	strace s2  }
0x95: {  	s2 =	sld [smem:$0x3FFD];
	_ =	sdelay $0x3  }
0x96: {  	_ =	strace s2  }
0x97: {  	_ =	strace $0x8FFFFFFF  }
0x98: {  	s18 =	sld [smem:$0x3FDB];
	_ =	sdelay $0x1  }
0x99: {  	s19 =	simm.s32 $_scs_section_size  }
0x9a: {  	s4 =	simm.s32 $_size__tile_overlayer_lowered;
	s5 =	simm.s32 $_tile_overlayer_lowered  }
0x9b: {  	s22 =	simm.s32 $0x1BFF;
	s21 =	sshll.u32 s5, $0x1;
	s2 =	sadd.s32 s19, s18  }
0x9c: {  	s6 =	simm.s32 $0x0;
	s20 =	sshll.u32 s4, $0x1;
	s4 =	sadd.s32 s21, s2  }
0x9d: {  	[timem:s6], [sflag:s22] =	dma.local [hbm:s4], s20  }
0x9e: {  	_ =	swait.ge [sflag:s22], s20  }
0x9f: {  	s3 =	ssub.s32 $0x0, s20;
	[sflag:s22] =	ssyncset.done $0x0  }
0xa0: {  	[sflag:s22] =	ssyncadd.s32 s3;
	_ =	sdelay $0x1  }
0xa1: {  	s23 =	simm.s32 $0x1B8B  }
0xa2: {  	_ =	swait.ge [sflag:s23], $0x1  }
0xa3: {  	[sflag:s23] =	ssyncset.done $0x0  }
0xa4: {  	s25 =	simm.s32 $0x1B8E;
	s24 =	sld [smem:$0x3FFE];
	[sflag:s23] =	ssyncadd.s32 $0xFFFFFFFF  }
0xa5: {  	s26 =	simm.s32 $execute0_lowered;
	[smem:$0x3FD2] =	sst s25  }
0xa6: {  	s4 =	sshll.u32 s26, $0x1;
	_ =	strace $0x80000049;
	[dreg:$0x1] =	wrdreg $0xFFFFFFFF  }
0xa7: {  	s28 =	simm.s32 $_size_execute0_lowered;
	s2 =	sadd.s32 s2, s4;
	[dreg:$0x0] =	wrdreg $0x0  }
0xa8: {  	s4 =	sshll.u32 s28, $0x1;
	[dreg:$0x2] =	wrdreg s2  }
0xa9: {  	[dreg:$0x3] =	wrdreg s4  }
0xaa: {  	[dreg:$0x4] =	wrdreg $0xC0  }
0xab: {  	_ =	task [dreg:s6], $0x5FFFF  }
0xac: {  	[dreg:$0x1] =	wrdreg $0xFFFFFFFF  }
0xad: {  	[dreg:$0x0] =	wrdreg $0x60  }
0xae: {  	[dreg:$0x2] =	wrdreg s24  }
0xaf: {  	[dreg:$0x3] =	wrdreg $0x0  }
0xb0: {  	[dreg:$0x4] =	wrdreg $0x9  }
0xb1: {  	_ =	task.clear_ibuf [dreg:s6], $0x5FFFF;
	_ =	strace $0x90000049  }
0xb2: {  	s29 =	simm.s32 $0x9;
	_ =	strace $0x8000004B  }
0xb3: {  	_ =	swait.ge [sflag:s29], $0x1  }
0xb4: {  	[sflag:s29] =	ssyncadd.s32 $0xFFFFFFFF  }
0xb5: {  	_ =	strace $0x9000004B  }
0xb6: {  	_ =	sfence  }
0xb7: {  	s30 =	sld [smem:$0x0];
	_ =	sdelay $0x2  }
0xb8: {  	s31 =	sshll.u32 s1, $0xD;
	s1 =	sshrl.u32 s1, $0x2  }
0xb9: {  	s3 =	sand.u32 $0x4000, s31;
	s1 =	sadd.s32 s1, s30  }
0xba: {  	s0 =	sor.u32 s3, s0;
	s1 =	sshll.u32 s1, $0x11  }
0xbb: {  	s0 =	sor.u32 s1, s0  }
0xbc: {  	s0 =	sadd.s32 $0x8F2B, s0  }
0xbd: {  	[sflag:s0] =	ssyncadd.remote.s32 $0x1  }
0xbe: {  	_ =	sfence.sel $0xFFFF  }
0xbf: {  	[dreg:$0x0] =	wrdreg $0xFFFFFFFF;
	(pc) =	sbr.abs _section_cstart, $3  }
0xc0: {  	[dreg:$0x1] =	wrdreg $0xFFFFFFFF  }
0xc1: {  	_ =	task.clear_ibuf [dreg:s6], $0x2FFFF;
	_ =	strace $0x9FFFFFFF  }
0xc2: {  	(tm) =	ssettm $0x7FFFFFFF  }
0xc3: {  	_ =	shalt  }
tec
execute0_lowered:
.L_overlay_start_1:
0x0: {  	(tag) =	ssettag $0x1  }
0x1: {  	s1 =	srdreg.scid;
	s4 =	rddreg [dreg:$0x0]  }
0x2: {  	s0 =	stileid.u32;
	s2 =	rddreg [dreg:$0x1];
	s3 =	simm.s32 $0x0  }
0x3: {  	s16 =	simm.s32 $0x64;
	s17 =	simm.s32 $0x4000;
	s18 =	simm.s32 $0x4080  }
0x4: {  	s19 =	simm.s32 $0x7600;
	s20 =	simm.s32 $0x0;
	s8 =	smul.u32 $0x2800, s0  }
0x5: {  	s5 =	sand.u32 $0x1, s1;
	s1 =	rddreg [dreg:$0x2];
	s26 =	smul.u32 $0xA000, s0  }
0x6: {  	s25 =	sshll.u32 s0, $0x1;
	[smem:$0x7FF] =	sst s3;
	s13 =	smul.u32 $0x27100, s0  }
0x7: {  	s10 =	sadd.s32 $0x9D8000, s4;
	s31 =	sshll.u32 s0, $0x6;
	s9 =	smul.u32 $0x28000, s5  }
0x8: {  	s6 =	sor.u32 s5, s25;
	_ =	strace $0x8000004A;
	s14 =	smul.u32 $0x13880, s5  }
0x9: {  	s12 =	ssub.s32 $0x2, s5;
	s7 =	smul.u32 $0x380, s6;
	s11 =	sshrl.u32 s8, $0x3  }
0xa: {  	s6 =	smul.u32 $0x13880, s6;
	s28 =	sshrl.u32 s12, $0x1;
	s29 =	sadd.s32 s13, s10  }
0xb: {  	s11 =	sadd.s32 s11, s4;
	s8 =	sadd.s32 s8, s9;
	s12 =	ssub.s32 s12, s28  }
0xc: {  	s9 =	sshrl.u32 s26, $0x2;
	s30 =	sadd.s32 s14, s29;
	s14 =	simm.s32 $0x4400  }
0xd: {  	s7 =	sadd.s32 s7, s4;
	s8 =	sshrl.u32 s8, $0x3;
	s15 =	sadd.s32 s9, s2  }
0xe: {  	s5 =	sadd.s32 $0x1000, s11;
	s6 =	sadd.s32 s10, s6;
	s9 =	sadd.s32 $0xC80, s30  }
0xf: {  	s10 =	simm.s32 $0x2800;
	s11 =	simm.s32 $0x2;
	s8 =	sadd.s32 s8, s4  }
0x10: {  	s4 =	sadd.s32 $0x9D1000, s7;
	s13 =	sshrl.u32 s15, $0x3;
	s15 =	simm.s32 $0x1  }
0x11: {  	s7 =	sadd.s32 $0x6000, s8;
	s8 =	smax.u32 s12, $0x1;
	s12 =	sor.u32 $0x1C02, s31  }
.LBB2_1:
0x12: {  	[tilespmem:s10], [sflag:$0x2] =	stream.linear.gather [hbm4b:s4+s3], $0x1900, $0x38;
	[tilespmem:$0x10C00] =	vst v63  }
0x13: {  	_ =	swait.ge [sflag:s11], $0x1900  }
0x14: {  	[sflag:s11] =	ssyncset.done $0x0  }
0x15: {  	[sflag:s11] =	ssyncadd.s32 $0xFFFFE700  }
0x16: {  	[spmem:s13], [sflag:s12] =	dma.local [hbm:s5], $0x500  }
0x17: {  	_ =	swait.ge [sflag:s11], $0x500  }
0x18: {  	s21 =	sand.u32 $0x1, s3;
	[sflag:s11] =	ssyncset.done $0x0  }
0x19: {  	s22 =	sxor.u32 $0x1, s21;
	[sflag:s11] =	ssyncadd.s32 $0xFFFFFB00  }
0x1a: {  	s22 =	smul.u32 $0x19000, s22;
	[bflag:$0x0] =	sbarrier.arrive $0xFFFF  }
0x1b: {  	[tilespmem:s14], [sflag:$0x1] =	stream.linear.gather [hbm4b:s6+s3], $0x6400, $0x38;
	[tilespmem:$0x10C00] =	vst v63  }
0x1c: {  	s21 =	smul.u32 $0x19000, s21;
	_ =	swait.ge [sflag:s15], $0x6400  }
0x1d: {  	s22 =	sshrl.u32 s22, $0x2;
	[sflag:s15] =	ssyncset.done $0x0  }
0x1e: {  	s21 =	sshrl.u32 s21, $0x2;
	s22 =	sadd.s32 $0x4400, s22;
	[sflag:s15] =	ssyncadd.s32 $0xFFFF9C00  }
0x1f: {  	[tilespmem:s22], [sflag:$0x1] =	stream.linear.gather [hbm4b:s9+s3], $0x6400, $0x38;
	[tilespmem:$0x10C00] =	vst v63  }
0x20: {  	s23 =	simm.s32 $0x2800;
	s30 =	sadd.s32 $0x4400, s21  }
0x21: {  	[spmem:s2] =	stream.indirect.scatter.add.f32 [tilespmem:s30], [sflag:$0x2], $0x80, s23, s16, $0xb8;
	[tilespmem:$0x10C00] =	vst v63  }
0x22: {  	s31 =	simm.s32 $0x2880;
	_ =	swait.ge [sflag:s11], $0x3200  }
0x23: {  	s25 =	simm.s32 $0x1;
	s24 =	simm.s32 $0x2;
	[sflag:s11] =	ssyncset.done $0x0  }
0x24: {  	s25 =	sand.u32 $0x1, s25;
	s21 =	sadd.s32 $0x7600, s21;
	[sflag:s11] =	ssyncadd.s32 $0xFFFFCE00  }
0x25: {  	[spmem:s2] =	stream.indirect.scatter.add.f32 [tilespmem:s21], [sflag:$0x2], $0x80, s31, s16, $0xb8;
	[tilespmem:$0x10C00] =	vst v63  }
0x26: {  	s22 =	sadd.s32 $0xC80, s9;
	s23 =	smul.u32 $0x19000, s25;
	_ =	swait.ge [sflag:s11], $0x3200  }
0x27: {  	s25 =	sxor.u32 $0x1, s25;
	s21 =	simm.s32 $0x2980;
	[sflag:s11] =	ssyncset.done $0x0  }
.LBB2_2:
0x28: {  	s25 =	smul.u32 $0x19000, s25  }
0x29: {  	[sflag:s11] =	ssyncadd.s32 $0xFFFFCE00;
	s26 =	smov.u32 s24;
	s28 =	sadd.s32 $0x1, s24  }
0x2a: {  	p0 =	sne.s32 s24, $0x17;
	s23 =	sshrl.u32 s23, $0x2;
	_ =	swait.ge [sflag:s15], $0x6400  }
0x2b: {  	[sflag:s15] =	ssyncset.done $0x0;
	s24 =	sshrl.u32 s25, $0x2  }
0x2c: {  	[sflag:s15] =	ssyncadd.s32 $0xFFFF9C00;
	s24 =	sadd.s32 $0x4400, s24  }
0x2d: {  	[tilespmem:s24], [sflag:$0x1] =	stream.linear.gather [hbm4b:s22+s3], $0x6400, $0x38;
	[tilespmem:$0x10C00] =	vst v63  }
0x2e: {  	s25 =	sadd.s32 $0xFFFFFF80, s21;
	s24 =	sadd.s32 $0x4400, s23  }
0x2f: {  	[spmem:s2] =	stream.indirect.scatter.add.f32 [tilespmem:s24], [sflag:$0x2], $0x80, s25, s16, $0xb8;
	[tilespmem:$0x10C00] =	vst v63  }
0x30: {  	_ =	swait.ge [sflag:s11], $0x3200  }
.Ltmp0:
0x31: {  	s23 =	sadd.s32 $0x7600, s23;
	[sflag:s11] =	ssyncset.done $0x0;
	(pc) =	sbr.rel @p0 .LBB2_2-.Ltmp0, $4  }
0x32: {  	s22 =	sadd.s32 $0xC80, s22;
	s24 =	sand.u32 $0x1, s26;
	[sflag:s11] =	ssyncadd.s32 $0xFFFFCE00  }
0x33: {  	[spmem:s2] =	stream.indirect.scatter.add.f32 [tilespmem:s23], [sflag:$0x2], $0x80, s21, s16, $0xb8;
	[tilespmem:$0x10C00] =	vst v63  }
0x34: {  	s25 =	sxor.u32 $0x1, s24;
	s21 =	sadd.s32 $0x100, s21;
	_ =	swait.ge [sflag:s11], $0x3200  }
0x35: {  	s23 =	smul.u32 $0x19000, s24;
	s24 =	smov.u32 s28;
	[sflag:s11] =	ssyncset.done $0x0  }
0x36: {  	s24 =	smul.u32 $0x19000, s25;
	[sflag:s11] =	ssyncadd.s32 $0xFFFFCE00  }
0x37: {  	_ =	swait.ge [sflag:s15], $0x6400  }
0x38: {  	[sflag:s15] =	ssyncset.done $0x0;
	s24 =	sshrl.u32 s24, $0x2  }
0x39: {  	s23 =	sshrl.u32 s23, $0x2;
	[sflag:s15] =	ssyncadd.s32 $0xFFFF9C00;
	s24 =	sadd.s32 $0x4400, s24  }
0x3a: {  	[tilespmem:s24], [sflag:$0x1] =	stream.linear.gather [hbm4b:s22+s3], $0x6400, $0x38;
	[tilespmem:$0x10C00] =	vst v63  }
0x3b: {  	s30 =	sadd.s32 $0xFFFFFF80, s21;
	s29 =	sadd.s32 $0x4400, s23  }
0x3c: {  	[spmem:s2] =	stream.indirect.scatter.add.f32 [tilespmem:s29], [sflag:$0x2], $0x80, s30, s16, $0xb8;
	[tilespmem:$0x10C00] =	vst v63  }
0x3d: {  	_ =	swait.ge [sflag:s11], $0x3200  }
0x3e: {  	[sflag:s11] =	ssyncset.done $0x0  }
0x3f: {  	s31 =	sadd.s32 $0x7600, s23;
	[sflag:s11] =	ssyncadd.s32 $0xFFFFCE00  }
0x40: {  	[spmem:s2] =	stream.indirect.scatter.add.f32 [tilespmem:s31], [sflag:$0x2], $0x80, s21, s16, $0xb8;
	[tilespmem:$0x10C00] =	vst v63  }
0x41: {  	_ =	swait.ge [sflag:s11], $0x3200  }
0x42: {  	[sflag:s11] =	ssyncset.done $0x0  }
0x43: {  	[sflag:s11] =	ssyncadd.s32 $0xFFFFCE00  }
0x44: {  	_ =	swait.ge [sflag:s15], $0x6400  }
0x45: {  	[sflag:s15] =	ssyncset.done $0x0  }
0x46: {  	[sflag:s15] =	ssyncadd.s32 $0xFFFF9C00  }
0x47: {  	[spmem:s2] =	stream.indirect.scatter.add.f32 [tilespmem:s14], [sflag:$0x2], $0x80, s17, s16, $0xb8;
	[tilespmem:$0x10C00] =	vst v63  }
0x48: {  	_ =	swait.ge [sflag:s11], $0x3200  }
0x49: {  	[sflag:s11] =	ssyncset.done $0x0  }
0x4a: {  	[sflag:s11] =	ssyncadd.s32 $0xFFFFCE00  }
0x4b: {  	[spmem:s2] =	stream.indirect.scatter.add.f32 [tilespmem:s19], [sflag:$0x2], $0x80, s18, s16, $0xb8;
	[tilespmem:$0x10C00] =	vst v63  }
0x4c: {  	_ =	swait.ge [sflag:s11], $0x3200  }
0x4d: {  	s20 =	sadd.s32 $0x1, s20;
	[sflag:s11] =	ssyncset.done $0x0  }
0x4e: {  	p0 =	sne.s32 s20, s8;
	[sflag:s11] =	ssyncadd.s32 $0xFFFFCE00  }
.Ltmp1:
0x4f: {  	[bflag:$0x0] =	sbarrier.arrive $0xFFFF;
	(pc) =	sbr.rel @p0 .LBB2_1-.Ltmp1, $4  }
0x50: {  	[hbm:s7], [sflag:s12] =	dma.local [spmem:s13], $0x500  }
0x51: {  	_ =	swait.ge [sflag:s11], $0x500  }
0x52: {  	[sflag:s11] =	ssyncset.done $0x0  }
0x53: {  	[sflag:s11] =	ssyncadd.s32 $0xFFFFFB00  }
0x54: {  	_ =	sfence.sel $0x180000  }
0x55: {  	[bflag:$0x0] =	sbarrier.arrive $0xFFFF  }
0x56: {  	p0 =	sne.s32 s0, $0x0;
	_ =	strace $0x9000004A  }
0x57: {  	s0 =	sadd.s32 @!p0 $0x100000, s1;
	[bflag:$0x2] =	sbarrier.arrive $0xFFFF  }
0x58: {  	[sflag:s0] =	ssyncadd.tile.s32 @!p0 $0x1;
	_ =	shalt  }
.Lfunc_end2:
_tile_overlayer_lowered:
.L_overlay_start_2:
0x59: {  	(tag) =	ssettag $0x2  }
0x5a: {  	s0 =	rddreg [dreg:$0x0];
	s2 =	stileid.u32  }
0x5b: {  	s1 =	rddreg [dreg:$0x1];
	p0 =	sne.s32 s2, $0x0  }
0x5c: {  	s3 =	rddreg [dreg:$0x2];
	[bflag:$0x3] =	sbarrier.arrive $0xFFFF;
	s2 =	simm.s32 @!p0 $0x1C02  }
0x5d: {  	[timem:s3], [sflag:s2] =	dma.local @!p0 [hbm:s0], s1  }
0x5e: {  	s0 =	simm.s32 @!p0 $0x2  }
0x5f: {  	_ =	swait.ge @!p0 [sflag:s0], s1  }
0x60: {  	s1 =	ssub.s32 @!p0 $0x0, s1;
	[sflag:s0] =	ssyncset.done @!p0 $0x0  }
0x61: {  	[sflag:s0] =	ssyncadd.s32 @!p0 s1  }
0x62: {  	[bflag:$0x3] =	sbarrier.arrive $0xFFFF  }
0x63: {  	_ =	shalt  }

</sc_bundles>
